<compile_context>
chip_gen: v7x
topology: tpu7x:2x2x1
jax: 0.10.2.dev20260603
libtpu: 0.0.44.dev20260713+nightly
codegen_flags: <defaults>
</compile_context>

<pallas_src>
import jax
import jax.numpy as jnp
from jax import lax
from jax.experimental import pallas as pl
from jax.experimental.pallas import tpu as pltpu
from jax.experimental.pallas import tpu_sc as plsc

B = 16384
VOCAB = 100000
EMB = 32
IDX_DIM = 64
HID = 256
U_FIELDS = 3
I_FIELDS = 4
N_FIELDS = U_FIELDS + I_FIELDS

GRP = 4
GS = 26624
LBLK = 2048
NBLK = GS // LBLK
MAXJ = (VOCAB - 1) // LBLK

NC = 2
NS = 16
NW = NC * NS
BW = B // NW
CHUNK = 128


def _tpack_body(x0, x1, x2, x3, o_ref):
    n = GRP * EMB
    eye = (lax.broadcasted_iota(jnp.int32, (n, n), 0)
           == lax.broadcasted_iota(jnp.int32, (n, n), 1)).astype(jnp.float32)
    x4 = jnp.concatenate([x[0] for x in (x0, x1, x2, x3)], axis=0)
    o_ref[...] = lax.dot_general(x4, eye,
                                 dimension_numbers=(((0,), (0,)), ((), ())),
                                 preferred_element_type=jnp.float32)


def _transpose_pack(tabT, n_fields):
    def spec(m):
        return pl.BlockSpec(
            (1, EMB, LBLK),
            lambda f, c: (f, 0, jnp.minimum(m * NBLK + c, MAXJ)))

    return pl.pallas_call(
        _tpack_body,
        grid=(n_fields, NBLK),
        in_specs=[spec(0), spec(1), spec(2), spec(3)],
        out_specs=pl.BlockSpec((LBLK, GRP * EMB), lambda f, c: (f * NBLK + c, 0)),
        out_shape=jax.ShapeDtypeStruct((n_fields * GS, GRP * EMB), jnp.float32),
    )(tabT, tabT, tabT, tabT)


def _sc_phase(tab_hbm, idx_hbm, out_hbm, f, base, idx_v, rows_v, sem):
    pltpu.sync_copy(idx_hbm.at[pl.ds(f * B + base, BW)], idx_v)
    copies = []
    for c in range(BW // CHUNK):
        copies.append(pltpu.async_copy(
            tab_hbm.at[idx_v.at[pl.ds(c * CHUNK, CHUNK)]],
            rows_v.at[pl.ds(c * CHUNK, CHUNK)],
            sem,
        ))
    for cp in copies:
        cp.wait()
    pltpu.sync_copy(rows_v, out_hbm.at[pl.ds(base, BW)])


def _sc_gather_u_body(u_tab, u_idx, o0, o1, o2, idx_v, rows_v, sem):
    base = (lax.axis_index("s") * NC + lax.axis_index("c")) * BW
    for f, out in enumerate((o0, o1, o2)):
        _sc_phase(u_tab, u_idx, out, f, base, idx_v, rows_v, sem)


def _sc_gather_i_body(i_tab, i_idx, o0, o1, o2, o3, idx_v, rows_v, sem):
    base = (lax.axis_index("s") * NC + lax.axis_index("c")) * BW
    for f, out in enumerate((o0, o1, o2, o3)):
        _sc_phase(i_tab, i_idx, out, f, base, idx_v, rows_v, sem)


def _mlp_body(idx_ref, g0, g1, g2, g3, g4, g5, g6, m_ref,
              w1_ref, w1p_bf_ref, b1_ref, w2_ref, b2_ref, o_ref):
    lane_grp = lax.broadcasted_iota(jnp.int32, (1, GRP * EMB), 1) // EMB
    h = jnp.dot(idx_ref[...].astype(jnp.bfloat16), w1_ref[...],
                preferred_element_type=jnp.float32)
    for f, g in enumerate((g0, g1, g2, g3, g4, g5, g6)):
        sel = jnp.where(m_ref[:, f:f + 1] == lane_grp, g[...], 0.0)
        lo = f * GRP * EMB
        h += jnp.dot(sel.astype(jnp.bfloat16),
                     w1p_bf_ref[lo:lo + GRP * EMB, :],
                     preferred_element_type=jnp.float32)
    h = jnp.maximum(h + b1_ref[...], 0.0)
    logits = jnp.dot(h.astype(jnp.bfloat16), w2_ref[...],
                     preferred_element_type=jnp.float32)
    logits += b2_ref[...]
    m = jnp.max(logits, axis=-1, keepdims=True)
    e = jnp.exp(logits - m)
    o_ref[...] = e / jnp.sum(e, axis=-1, keepdims=True)


_MLP_BLK = 2048


def kernel(indexEmb, userFeatures, itemFeatures, user_table, item_table,
           W1, b1, W2, b2):
    uT = jnp.transpose(user_table, (0, 2, 1))
    iT = jnp.transpose(item_table, (0, 2, 1))
    p_u = _transpose_pack(uT, U_FIELDS)
    p_i = _transpose_pack(iT, I_FIELDS)

    f_off_u = jnp.arange(U_FIELDS, dtype=jnp.int32)[:, None] * GS
    f_off_i = jnp.arange(I_FIELDS, dtype=jnp.int32)[:, None] * GS
    uF_t = jnp.transpose(userFeatures)
    iF_t = jnp.transpose(itemFeatures)
    u_idx = (uF_t % GS + f_off_u).reshape(U_FIELDS * B)
    i_idx = (iF_t % GS + f_off_i).reshape(I_FIELDS * B)
    grp = jnp.concatenate([userFeatures // GS, itemFeatures // GS], axis=1)

    w1_fields = W1[IDX_DIM:].reshape(N_FIELDS, EMB, HID)
    w1_tiled = jnp.tile(w1_fields[:, None], (1, GRP, 1, 1))
    W1p = w1_tiled.reshape(N_FIELDS * GRP * EMB, HID).astype(jnp.bfloat16)

    mesh = plsc.VectorSubcoreMesh(core_axis_name="c", subcore_axis_name="s")

    def make_gather(body, nf):
        return pl.kernel(
            body,
            out_type=tuple(
                jax.ShapeDtypeStruct((B, GRP * EMB), jnp.float32)
                for _ in range(nf)
            ),
            mesh=mesh,
            scratch_types=[
                pltpu.VMEM((BW,), jnp.int32),
                pltpu.VMEM((BW, GRP * EMB), jnp.float32),
                pltpu.SemaphoreType.DMA,
            ],
            compiler_params=pltpu.CompilerParams(use_tc_tiling_on_sc=True),
        )

    fields_u = make_gather(_sc_gather_u_body, U_FIELDS)(p_u, u_idx)
    fields_i = make_gather(_sc_gather_i_body, I_FIELDS)(p_i, i_idx)
    fields = tuple(fields_u) + tuple(fields_i)

    grid = (B // _MLP_BLK,)
    row_spec = pl.BlockSpec((_MLP_BLK, GRP * EMB), lambda i: (i, 0))
    out = pl.pallas_call(
        _mlp_body,
        grid=grid,
        in_specs=[
            pl.BlockSpec((_MLP_BLK, IDX_DIM), lambda i: (i, 0)),
            row_spec, row_spec, row_spec,
            row_spec, row_spec, row_spec, row_spec,
            pl.BlockSpec((_MLP_BLK, N_FIELDS), lambda i: (i, 0)),
            pl.BlockSpec((IDX_DIM, HID), lambda i: (0, 0)),
            pl.BlockSpec((N_FIELDS * GRP * EMB, HID), lambda i: (0, 0)),
            pl.BlockSpec((1, HID), lambda i: (0, 0)),
            pl.BlockSpec((HID, 2), lambda i: (0, 0)),
            pl.BlockSpec((1, 2), lambda i: (0, 0)),
        ],
        out_specs=pl.BlockSpec((_MLP_BLK, 2), lambda i: (i, 0)),
        out_shape=jax.ShapeDtypeStruct((B, 2), jnp.float32),
    )(indexEmb, *fields, grp, W1[:IDX_DIM].astype(jnp.bfloat16), W1p,
      b1.reshape(1, HID), W2.astype(jnp.bfloat16), b2.reshape(1, 2))
    return out

# --- scband reference (transcript-rebuilt; emitter-appended) ---
"""Pipeline reference for scband-model-rec-82755429860260 (READ-ONLY COPY).

The authoritative reference and input builder live on the scoring server;
editing this copy changes nothing except your own understanding.
"""

import jax, jax.numpy as jnp
import numpy as np

B = 16384
VOCAB = 100000
EMB = 32
IDX_DIM = 64
HID = 256
U_FIELDS = 3
I_FIELDS = 4


def setup_inputs(seed: int = 0) -> dict:
    key = jax.random.key(seed)
    ks = jax.random.split(key, 9)
    indexEmb = jax.random.normal(ks[0], (B, IDX_DIM), dtype=jnp.float32)
    userFeatures = jax.random.randint(ks[1], (B, U_FIELDS), 0, VOCAB, dtype=jnp.int32)
    itemFeatures = jax.random.randint(ks[2], (B, I_FIELDS), 0, VOCAB, dtype=jnp.int32)
    user_table = jax.random.normal(ks[3], (U_FIELDS, VOCAB, EMB), dtype=jnp.float32) * 0.01
    item_table = jax.random.normal(ks[4], (I_FIELDS, VOCAB, EMB), dtype=jnp.float32) * 0.01
    W1 = jax.random.normal(ks[5], (IDX_DIM + EMB * 7, HID), dtype=jnp.float32) * 0.02
    b1 = jnp.zeros((HID,), dtype=jnp.float32)
    W2 = jax.random.normal(ks[6], (HID, 2), dtype=jnp.float32) * 0.02
    b2 = jnp.zeros((2,), dtype=jnp.float32)
    return {
        "indexEmb": indexEmb,
        "userFeatures": userFeatures,
        "itemFeatures": itemFeatures,
        "user_table": user_table,
        "item_table": item_table,
        "W1": W1,
        "b1": b1,
        "W2": W2,
        "b2": b2,
    }


def _embed_all_fields(table, feats, n_fields):
    # table: [F, vocab, emb], feats: [B, F] -> [B, F*emb]
    embs = [jnp.take(table[f], feats[:, f], axis=0) for f in range(n_fields)]
    return jnp.concatenate(embs, axis=1)


def reference(indexEmb, userFeatures, itemFeatures, user_table, item_table, W1, b1, W2, b2):
    u = _embed_all_fields(user_table, userFeatures, U_FIELDS)
    it = _embed_all_fields(item_table, itemFeatures, I_FIELDS)
    x = jnp.concatenate([indexEmb, u, it], axis=1)
    h = jax.nn.relu(x @ W1 + b1)
    logits = h @ W2 + b2
    return jax.nn.softmax(logits, axis=-1)

if __name__ == "__main__":
    import jax
    _d = setup_inputs()
    print(jax.jit(kernel)(*tuple(_d.values())))

</pallas_src>

<mosaic_0001>
#map = affine_map<(d0, d1) -> (0, 0)>
#map1 = affine_map<(d0, d1) -> (0)>
module attributes {stable_mosaic.version = 14 : i64} {
  func.func @_sc_gather_u_body(%arg0: i32, %arg1: i32, %arg2: memref<79872x128xf32, #tpu.memory_space<hbm>>, %arg3: memref<49152xi32, #tpu.memory_space<hbm>>, %arg4: memref<16384x128xf32, #tpu.memory_space<hbm>>, %arg5: memref<16384x128xf32, #tpu.memory_space<hbm>>, %arg6: memref<16384x128xf32, #tpu.memory_space<hbm>>, %arg7: memref<512xi32, #tpu.memory_space<vmem>>, %arg8: memref<512x128xf32, #tpu.memory_space<vmem>>, %arg9: memref<!tpu.dma_semaphore, #tpu.memory_space<semaphore_mem>>) attributes {dimension_semantics = [#tpu.dimension_semantics<core_parallel>, #tpu.dimension_semantics<subcore_parallel>], iteration_bounds = array<i64: 2, 16>, scalar_prefetch = 0 : i64, scratch_operands = 3 : i64, tpu.core_type = #tpu.core_type<sc_vector_subcore>, window_params = [{transform_indices = #map}, {transform_indices = #map1}, {transform_indices = #map}, {transform_indices = #map}, {transform_indices = #map}]} {
    %mul3A = arith.constant 2 : i32
    %mul3A_0 = arith.muli %arg1, %mul3A : i32
    %add3A = arith.addi %mul3A_0, %arg0 : i32
    %mul3A_1 = arith.constant 512 : i32
    %mul3A_2 = arith.muli %add3A, %mul3A_1 : i32
    %add3A_3 = arith.constant 0 : i32
    %add3A_4 = arith.addi %add3A_3, %mul3A_2 : i32
    "tpu.region"() ({
      %run_scoped3A = tpu.sem_alloc : memref<!tpu.dma_semaphore, #tpu.memory_space<semaphore_mem>>
      %dma_start3A_199 = tpu.memref_slice %arg3[%add3A_4] : memref<49152xi32, #tpu.memory_space<hbm>> -> memref<512xi32, #tpu.memory_space<hbm>>
      %dma_start3A_200 = tpu.memref_slice %arg3[%add3A_4] : memref<49152xi32, #tpu.memory_space<hbm>> -> memref<512xi32, #tpu.memory_space<hbm>>
      tpu.enqueue_dma source(%dma_start3A_200 : memref<512xi32, #tpu.memory_space<hbm>>) target(%arg7 : memref<512xi32, #tpu.memory_space<vmem>>) target_semaphore(%run_scoped3A : memref<!tpu.dma_semaphore, #tpu.memory_space<semaphore_mem>>)
      %dma_wait3A_201 = tpu.memref_slice %arg3[%add3A_4] : memref<49152xi32, #tpu.memory_space<hbm>> -> memref<512xi32, #tpu.memory_space<hbm>>
      %dma_wait3A_202 = tpu.memref_slice %arg3[%add3A_4] : memref<49152xi32, #tpu.memory_space<hbm>> -> memref<512xi32, #tpu.memory_space<hbm>>
      tpu.wait_dma2 semaphore(%run_scoped3A : memref<!tpu.dma_semaphore, #tpu.memory_space<semaphore_mem>>) src(%dma_wait3A_202 : memref<512xi32, #tpu.memory_space<hbm>>) dst(%arg7 : memref<512xi32, #tpu.memory_space<vmem>>)
      tpu.yield
    }) : () -> ()
    %dma_start3A = arith.constant 0 : i32
    %dma_start3A_5 = arith.constant 0 : i32
    %dma_start3A_6 = tpu.memref_slice %arg8[%dma_start3A, %dma_start3A_5] : memref<512x128xf32, #tpu.memory_space<vmem>> -> memref<128x128xf32, #tpu.memory_space<vmem>>
    %dma_start3A_7 = arith.constant 0 : i32
    %dma_start3A_8 = tpu.memref_slice %arg7[%dma_start3A_7] : memref<512xi32, #tpu.memory_space<vmem>> -> memref<128xi32, #tpu.memory_space<vmem>>
    %dma_start3A_9 = arith.constant 0 : i32
    %dma_start3A_10 = arith.constant 0 : i32
    %dma_start3A_11 = tpu.memref_slice %arg2[%dma_start3A_9, %dma_start3A_10] : memref<79872x128xf32, #tpu.memory_space<hbm>> -> memref<79872x128xf32, #tpu.memory_space<hbm>>
    tpu.enqueue_indirect_dma source(%dma_start3A_11 : memref<79872x128xf32, #tpu.memory_space<hbm>>) target(%dma_start3A_6 : memref<128x128xf32, #tpu.memory_space<vmem>>) offsets(%dma_start3A_8 : memref<128xi32, #tpu.memory_space<vmem>>) semaphore(%arg9 : memref<!tpu.dma_semaphore, #tpu.memory_space<semaphore_mem>>)
    %dma_start3A_12 = arith.constant 128 : i32
    %dma_start3A_13 = arith.constant 0 : i32
    %dma_start3A_14 = tpu.memref_slice %arg8[%dma_start3A_12, %dma_start3A_13] : memref<512x128xf32, #tpu.memory_space<vmem>> -> memref<128x128xf32, #tpu.memory_space<vmem>>
    %dma_start3A_15 = arith.constant 128 : i32
    %dma_start3A_16 = tpu.memref_slice %arg7[%dma_start3A_15] : memref<512xi32, #tpu.memory_space<vmem>> -> memref<128xi32, #tpu.memory_space<vmem>>
    %dma_start3A_17 = arith.constant 0 : i32
    %dma_start3A_18 = arith.constant 0 : i32
    %dma_start3A_19 = tpu.memref_slice %arg2[%dma_start3A_17, %dma_start3A_18] : memref<79872x128xf32, #tpu.memory_space<hbm>> -> memref<79872x128xf32, #tpu.memory_space<hbm>>
    tpu.enqueue_indirect_dma source(%dma_start3A_19 : memref<79872x128xf32, #tpu.memory_space<hbm>>) target(%dma_start3A_14 : memref<128x128xf32, #tpu.memory_space<vmem>>) offsets(%dma_start3A_16 : memref<128xi32, #tpu.memory_space<vmem>>) semaphore(%arg9 : memref<!tpu.dma_semaphore, #tpu.memory_space<semaphore_mem>>)
    %dma_start3A_20 = arith.constant 256 : i32
    %dma_start3A_21 = arith.constant 0 : i32
    %dma_start3A_22 = tpu.memref_slice %arg8[%dma_start3A_20, %dma_start3A_21] : memref<512x128xf32, #tpu.memory_space<vmem>> -> memref<128x128xf32, #tpu.memory_space<vmem>>
    %dma_start3A_23 = arith.constant 256 : i32
    %dma_start3A_24 = tpu.memref_slice %arg7[%dma_start3A_23] : memref<512xi32, #tpu.memory_space<vmem>> -> memref<128xi32, #tpu.memory_space<vmem>>
    %dma_start3A_25 = arith.constant 0 : i32
    %dma_start3A_26 = arith.constant 0 : i32
    %dma_start3A_27 = tpu.memref_slice %arg2[%dma_start3A_25, %dma_start3A_26] : memref<79872x128xf32, #tpu.memory_space<hbm>> -> memref<79872x128xf32, #tpu.memory_space<hbm>>
    tpu.enqueue_indirect_dma source(%dma_start3A_27 : memref<79872x128xf32, #tpu.memory_space<hbm>>) target(%dma_start3A_22 : memref<128x128xf32, #tpu.memory_space<vmem>>) offsets(%dma_start3A_24 : memref<128xi32, #tpu.memory_space<vmem>>) semaphore(%arg9 : memref<!tpu.dma_semaphore, #tpu.memory_space<semaphore_mem>>)
    %dma_start3A_28 = arith.constant 384 : i32
    %dma_start3A_29 = arith.constant 0 : i32
    %dma_start3A_30 = tpu.memref_slice %arg8[%dma_start3A_28, %dma_start3A_29] : memref<512x128xf32, #tpu.memory_space<vmem>> -> memref<128x128xf32, #tpu.memory_space<vmem>>
    %dma_start3A_31 = arith.constant 384 : i32
    %dma_start3A_32 = tpu.memref_slice %arg7[%dma_start3A_31] : memref<512xi32, #tpu.memory_space<vmem>> -> memref<128xi32, #tpu.memory_space<vmem>>
    %dma_start3A_33 = arith.constant 0 : i32
    %dma_start3A_34 = arith.constant 0 : i32
    %dma_start3A_35 = tpu.memref_slice %arg2[%dma_start3A_33, %dma_start3A_34] : memref<79872x128xf32, #tpu.memory_space<hbm>> -> memref<79872x128xf32, #tpu.memory_space<hbm>>
    tpu.enqueue_indirect_dma source(%dma_start3A_35 : memref<79872x128xf32, #tpu.memory_space<hbm>>) target(%dma_start3A_30 : memref<128x128xf32, #tpu.memory_space<vmem>>) offsets(%dma_start3A_32 : memref<128xi32, #tpu.memory_space<vmem>>) semaphore(%arg9 : memref<!tpu.dma_semaphore, #tpu.memory_space<semaphore_mem>>)
    %dma_wait3A = arith.constant 0 : i32
    %dma_wait3A_36 = arith.constant 0 : i32
    %dma_wait3A_37 = tpu.memref_slice %arg8[%dma_wait3A, %dma_wait3A_36] : memref<512x128xf32, #tpu.memory_space<vmem>> -> memref<128x128xf32, #tpu.memory_space<vmem>>
    %dma_wait3A_38 = arith.constant 0 : i32
    %dma_wait3A_39 = tpu.memref_slice %arg7[%dma_wait3A_38] : memref<512xi32, #tpu.memory_space<vmem>> -> memref<128xi32, #tpu.memory_space<vmem>>
    %dma_wait3A_40 = arith.constant 0 : i32
    %dma_wait3A_41 = arith.constant 0 : i32
    %dma_wait3A_42 = tpu.memref_slice %arg2[%dma_wait3A_40, %dma_wait3A_41] : memref<79872x128xf32, #tpu.memory_space<hbm>> -> memref<79872x128xf32, #tpu.memory_space<hbm>>
    tpu.wait_indirect_dma semaphore(%arg9 : memref<!tpu.dma_semaphore, #tpu.memory_space<semaphore_mem>>) src(%dma_wait3A_42 : memref<79872x128xf32, #tpu.memory_space<hbm>>) dst(%dma_wait3A_37 : memref<128x128xf32, #tpu.memory_space<vmem>>)
    %dma_wait3A_43 = arith.constant 128 : i32
    %dma_wait3A_44 = arith.constant 0 : i32
    %dma_wait3A_45 = tpu.memref_slice %arg8[%dma_wait3A_43, %dma_wait3A_44] : memref<512x128xf32, #tpu.memory_space<vmem>> -> memref<128x128xf32, #tpu.memory_space<vmem>>
    %dma_wait3A_46 = arith.constant 128 : i32
    %dma_wait3A_47 = tpu.memref_slice %arg7[%dma_wait3A_46] : memref<512xi32, #tpu.memory_space<vmem>> -> memref<128xi32, #tpu.memory_space<vmem>>
    %dma_wait3A_48 = arith.constant 0 : i32
    %dma_wait3A_49 = arith.constant 0 : i32
    %dma_wait3A_50 = tpu.memref_slice %arg2[%dma_wait3A_48, %dma_wait3A_49] : memref<79872x128xf32, #tpu.memory_space<hbm>> -> memref<79872x128xf32, #tpu.memory_space<hbm>>
    tpu.wait_indirect_dma semaphore(%arg9 : memref<!tpu.dma_semaphore, #tpu.memory_space<semaphore_mem>>) src(%dma_wait3A_50 : memref<79872x128xf32, #tpu.memory_space<hbm>>) dst(%dma_wait3A_45 : memref<128x128xf32, #tpu.memory_space<vmem>>)
    %dma_wait3A_51 = arith.constant 256 : i32
    %dma_wait3A_52 = arith.constant 0 : i32
    %dma_wait3A_53 = tpu.memref_slice %arg8[%dma_wait3A_51, %dma_wait3A_52] : memref<512x128xf32, #tpu.memory_space<vmem>> -> memref<128x128xf32, #tpu.memory_space<vmem>>
    %dma_wait3A_54 = arith.constant 256 : i32
    %dma_wait3A_55 = tpu.memref_slice %arg7[%dma_wait3A_54] : memref<512xi32, #tpu.memory_space<vmem>> -> memref<128xi32, #tpu.memory_space<vmem>>
    %dma_wait3A_56 = arith.constant 0 : i32
    %dma_wait3A_57 = arith.constant 0 : i32
    %dma_wait3A_58 = tpu.memref_slice %arg2[%dma_wait3A_56, %dma_wait3A_57] : memref<79872x128xf32, #tpu.memory_space<hbm>> -> memref<79872x128xf32, #tpu.memory_space<hbm>>
    tpu.wait_indirect_dma semaphore(%arg9 : memref<!tpu.dma_semaphore, #tpu.memory_space<semaphore_mem>>) src(%dma_wait3A_58 : memref<79872x128xf32, #tpu.memory_space<hbm>>) dst(%dma_wait3A_53 : memref<128x128xf32, #tpu.memory_space<vmem>>)
    %dma_wait3A_59 = arith.constant 384 : i32
    %dma_wait3A_60 = arith.constant 0 : i32
    %dma_wait3A_61 = tpu.memref_slice %arg8[%dma_wait3A_59, %dma_wait3A_60] : memref<512x128xf32, #tpu.memory_space<vmem>> -> memref<128x128xf32, #tpu.memory_space<vmem>>
    %dma_wait3A_62 = arith.constant 384 : i32
    %dma_wait3A_63 = tpu.memref_slice %arg7[%dma_wait3A_62] : memref<512xi32, #tpu.memory_space<vmem>> -> memref<128xi32, #tpu.memory_space<vmem>>
    %dma_wait3A_64 = arith.constant 0 : i32
    %dma_wait3A_65 = arith.constant 0 : i32
    %dma_wait3A_66 = tpu.memref_slice %arg2[%dma_wait3A_64, %dma_wait3A_65] : memref<79872x128xf32, #tpu.memory_space<hbm>> -> memref<79872x128xf32, #tpu.memory_space<hbm>>
    tpu.wait_indirect_dma semaphore(%arg9 : memref<!tpu.dma_semaphore, #tpu.memory_space<semaphore_mem>>) src(%dma_wait3A_66 : memref<79872x128xf32, #tpu.memory_space<hbm>>) dst(%dma_wait3A_61 : memref<128x128xf32, #tpu.memory_space<vmem>>)
    "tpu.region"() ({
      %run_scoped3A = tpu.sem_alloc : memref<!tpu.dma_semaphore, #tpu.memory_space<semaphore_mem>>
      %dma_start3A_199 = arith.constant 0 : i32
      %dma_start3A_200 = tpu.memref_slice %arg4[%mul3A_2, %dma_start3A_199] : memref<16384x128xf32, #tpu.memory_space<hbm>> -> memref<512x128xf32, #tpu.memory_space<hbm>>
      %dma_start3A_201 = arith.constant 0 : i32
      %dma_start3A_202 = tpu.memref_slice %arg4[%mul3A_2, %dma_start3A_201] : memref<16384x128xf32, #tpu.memory_space<hbm>> -> memref<512x128xf32, #tpu.memory_space<hbm>>
      tpu.enqueue_dma source(%arg8 : memref<512x128xf32, #tpu.memory_space<vmem>>) target(%dma_start3A_202 : memref<512x128xf32, #tpu.memory_space<hbm>>) target_semaphore(%run_scoped3A : memref<!tpu.dma_semaphore, #tpu.memory_space<semaphore_mem>>)
      %dma_wait3A_203 = arith.constant 0 : i32
      %dma_wait3A_204 = tpu.memref_slice %arg4[%mul3A_2, %dma_wait3A_203] : memref<16384x128xf32, #tpu.memory_space<hbm>> -> memref<512x128xf32, #tpu.memory_space<hbm>>
      %dma_wait3A_205 = arith.constant 0 : i32
      %dma_wait3A_206 = tpu.memref_slice %arg4[%mul3A_2, %dma_wait3A_205] : memref<16384x128xf32, #tpu.memory_space<hbm>> -> memref<512x128xf32, #tpu.memory_space<hbm>>
      tpu.wait_dma2 semaphore(%run_scoped3A : memref<!tpu.dma_semaphore, #tpu.memory_space<semaphore_mem>>) src(%arg8 : memref<512x128xf32, #tpu.memory_space<vmem>>) dst(%dma_wait3A_206 : memref<512x128xf32, #tpu.memory_space<hbm>>)
      tpu.yield
    }) : () -> ()
    %add3A_67 = arith.constant 16384 : i32
    %add3A_68 = arith.addi %add3A_67, %mul3A_2 : i32
    "tpu.region"() ({
      %run_scoped3A = tpu.sem_alloc : memref<!tpu.dma_semaphore, #tpu.memory_space<semaphore_mem>>
      %dma_start3A_199 = tpu.memref_slice %arg3[%add3A_68] : memref<49152xi32, #tpu.memory_space<hbm>> -> memref<512xi32, #tpu.memory_space<hbm>>
      %dma_start3A_200 = tpu.memref_slice %arg3[%add3A_68] : memref<49152xi32, #tpu.memory_space<hbm>> -> memref<512xi32, #tpu.memory_space<hbm>>
      tpu.enqueue_dma source(%dma_start3A_200 : memref<512xi32, #tpu.memory_space<hbm>>) target(%arg7 : memref<512xi32, #tpu.memory_space<vmem>>) target_semaphore(%run_scoped3A : memref<!tpu.dma_semaphore, #tpu.memory_space<semaphore_mem>>)
      %dma_wait3A_201 = tpu.memref_slice %arg3[%add3A_68] : memref<49152xi32, #tpu.memory_space<hbm>> -> memref<512xi32, #tpu.memory_space<hbm>>
      %dma_wait3A_202 = tpu.memref_slice %arg3[%add3A_68] : memref<49152xi32, #tpu.memory_space<hbm>> -> memref<512xi32, #tpu.memory_space<hbm>>
      tpu.wait_dma2 semaphore(%run_scoped3A : memref<!tpu.dma_semaphore, #tpu.memory_space<semaphore_mem>>) src(%dma_wait3A_202 : memref<512xi32, #tpu.memory_space<hbm>>) dst(%arg7 : memref<512xi32, #tpu.memory_space<vmem>>)
      tpu.yield
    }) : () -> ()
    %dma_start3A_69 = arith.constant 0 : i32
    %dma_start3A_70 = arith.constant 0 : i32
    %dma_start3A_71 = tpu.memref_slice %arg8[%dma_start3A_69, %dma_start3A_70] : memref<512x128xf32, #tpu.memory_space<vmem>> -> memref<128x128xf32, #tpu.memory_space<vmem>>
    %dma_start3A_72 = arith.constant 0 : i32
    %dma_start3A_73 = tpu.memref_slice %arg7[%dma_start3A_72] : memref<512xi32, #tpu.memory_space<vmem>> -> memref<128xi32, #tpu.memory_space<vmem>>
    %dma_start3A_74 = arith.constant 0 : i32
    %dma_start3A_75 = arith.constant 0 : i32
    %dma_start3A_76 = tpu.memref_slice %arg2[%dma_start3A_74, %dma_start3A_75] : memref<79872x128xf32, #tpu.memory_space<hbm>> -> memref<79872x128xf32, #tpu.memory_space<hbm>>
    tpu.enqueue_indirect_dma source(%dma_start3A_76 : memref<79872x128xf32, #tpu.memory_space<hbm>>) target(%dma_start3A_71 : memref<128x128xf32, #tpu.memory_space<vmem>>) offsets(%dma_start3A_73 : memref<128xi32, #tpu.memory_space<vmem>>) semaphore(%arg9 : memref<!tpu.dma_semaphore, #tpu.memory_space<semaphore_mem>>)
    %dma_start3A_77 = arith.constant 128 : i32
    %dma_start3A_78 = arith.constant 0 : i32
    %dma_start3A_79 = tpu.memref_slice %arg8[%dma_start3A_77, %dma_start3A_78] : memref<512x128xf32, #tpu.memory_space<vmem>> -> memref<128x128xf32, #tpu.memory_space<vmem>>
    %dma_start3A_80 = arith.constant 128 : i32
    %dma_start3A_81 = tpu.memref_slice %arg7[%dma_start3A_80] : memref<512xi32, #tpu.memory_space<vmem>> -> memref<128xi32, #tpu.memory_space<vmem>>
    %dma_start3A_82 = arith.constant 0 : i32
    %dma_start3A_83 = arith.constant 0 : i32
    %dma_start3A_84 = tpu.memref_slice %arg2[%dma_start3A_82, %dma_start3A_83] : memref<79872x128xf32, #tpu.memory_space<hbm>> -> memref<79872x128xf32, #tpu.memory_space<hbm>>
    tpu.enqueue_indirect_dma source(%dma_start3A_84 : memref<79872x128xf32, #tpu.memory_space<hbm>>) target(%dma_start3A_79 : memref<128x128xf32, #tpu.memory_space<vmem>>) offsets(%dma_start3A_81 : memref<128xi32, #tpu.memory_space<vmem>>) semaphore(%arg9 : memref<!tpu.dma_semaphore, #tpu.memory_space<semaphore_mem>>)
    %dma_start3A_85 = arith.constant 256 : i32
    %dma_start3A_86 = arith.constant 0 : i32
    %dma_start3A_87 = tpu.memref_slice %arg8[%dma_start3A_85, %dma_start3A_86] : memref<512x128xf32, #tpu.memory_space<vmem>> -> memref<128x128xf32, #tpu.memory_space<vmem>>
    %dma_start3A_88 = arith.constant 256 : i32
    %dma_start3A_89 = tpu.memref_slice %arg7[%dma_start3A_88] : memref<512xi32, #tpu.memory_space<vmem>> -> memref<128xi32, #tpu.memory_space<vmem>>
    %dma_start3A_90 = arith.constant 0 : i32
    %dma_start3A_91 = arith.constant 0 : i32
    %dma_start3A_92 = tpu.memref_slice %arg2[%dma_start3A_90, %dma_start3A_91] : memref<79872x128xf32, #tpu.memory_space<hbm>> -> memref<79872x128xf32, #tpu.memory_space<hbm>>
    tpu.enqueue_indirect_dma source(%dma_start3A_92 : memref<79872x128xf32, #tpu.memory_space<hbm>>) target(%dma_start3A_87 : memref<128x128xf32, #tpu.memory_space<vmem>>) offsets(%dma_start3A_89 : memref<128xi32, #tpu.memory_space<vmem>>) semaphore(%arg9 : memref<!tpu.dma_semaphore, #tpu.memory_space<semaphore_mem>>)
    %dma_start3A_93 = arith.constant 384 : i32
    %dma_start3A_94 = arith.constant 0 : i32
    %dma_start3A_95 = tpu.memref_slice %arg8[%dma_start3A_93, %dma_start3A_94] : memref<512x128xf32, #tpu.memory_space<vmem>> -> memref<128x128xf32, #tpu.memory_space<vmem>>
    %dma_start3A_96 = arith.constant 384 : i32
    %dma_start3A_97 = tpu.memref_slice %arg7[%dma_start3A_96] : memref<512xi32, #tpu.memory_space<vmem>> -> memref<128xi32, #tpu.memory_space<vmem>>
    %dma_start3A_98 = arith.constant 0 : i32
    %dma_start3A_99 = arith.constant 0 : i32
    %dma_start3A_100 = tpu.memref_slice %arg2[%dma_start3A_98, %dma_start3A_99] : memref<79872x128xf32, #tpu.memory_space<hbm>> -> memref<79872x128xf32, #tpu.memory_space<hbm>>
    tpu.enqueue_indirect_dma source(%dma_start3A_100 : memref<79872x128xf32, #tpu.memory_space<hbm>>) target(%dma_start3A_95 : memref<128x128xf32, #tpu.memory_space<vmem>>) offsets(%dma_start3A_97 : memref<128xi32, #tpu.memory_space<vmem>>) semaphore(%arg9 : memref<!tpu.dma_semaphore, #tpu.memory_space<semaphore_mem>>)
    %dma_wait3A_101 = arith.constant 0 : i32
    %dma_wait3A_102 = arith.constant 0 : i32
    %dma_wait3A_103 = tpu.memref_slice %arg8[%dma_wait3A_101, %dma_wait3A_102] : memref<512x128xf32, #tpu.memory_space<vmem>> -> memref<128x128xf32, #tpu.memory_space<vmem>>
    %dma_wait3A_104 = arith.constant 0 : i32
    %dma_wait3A_105 = tpu.memref_slice %arg7[%dma_wait3A_104] : memref<512xi32, #tpu.memory_space<vmem>> -> memref<128xi32, #tpu.memory_space<vmem>>
    %dma_wait3A_106 = arith.constant 0 : i32
    %dma_wait3A_107 = arith.constant 0 : i32
    %dma_wait3A_108 = tpu.memref_slice %arg2[%dma_wait3A_106, %dma_wait3A_107] : memref<79872x128xf32, #tpu.memory_space<hbm>> -> memref<79872x128xf32, #tpu.memory_space<hbm>>
    tpu.wait_indirect_dma semaphore(%arg9 : memref<!tpu.dma_semaphore, #tpu.memory_space<semaphore_mem>>) src(%dma_wait3A_108 : memref<79872x128xf32, #tpu.memory_space<hbm>>) dst(%dma_wait3A_103 : memref<128x128xf32, #tpu.memory_space<vmem>>)
    %dma_wait3A_109 = arith.constant 128 : i32
    %dma_wait3A_110 = arith.constant 0 : i32
    %dma_wait3A_111 = tpu.memref_slice %arg8[%dma_wait3A_109, %dma_wait3A_110] : memref<512x128xf32, #tpu.memory_space<vmem>> -> memref<128x128xf32, #tpu.memory_space<vmem>>
    %dma_wait3A_112 = arith.constant 128 : i32
    %dma_wait3A_113 = tpu.memref_slice %arg7[%dma_wait3A_112] : memref<512xi32, #tpu.memory_space<vmem>> -> memref<128xi32, #tpu.memory_space<vmem>>
    %dma_wait3A_114 = arith.constant 0 : i32
    %dma_wait3A_115 = arith.constant 0 : i32
    %dma_wait3A_116 = tpu.memref_slice %arg2[%dma_wait3A_114, %dma_wait3A_115] : memref<79872x128xf32, #tpu.memory_space<hbm>> -> memref<79872x128xf32, #tpu.memory_space<hbm>>
    tpu.wait_indirect_dma semaphore(%arg9 : memref<!tpu.dma_semaphore, #tpu.memory_space<semaphore_mem>>) src(%dma_wait3A_116 : memref<79872x128xf32, #tpu.memory_space<hbm>>) dst(%dma_wait3A_111 : memref<128x128xf32, #tpu.memory_space<vmem>>)
    %dma_wait3A_117 = arith.constant 256 : i32
    %dma_wait3A_118 = arith.constant 0 : i32
    %dma_wait3A_119 = tpu.memref_slice %arg8[%dma_wait3A_117, %dma_wait3A_118] : memref<512x128xf32, #tpu.memory_space<vmem>> -> memref<128x128xf32, #tpu.memory_space<vmem>>
    %dma_wait3A_120 = arith.constant 256 : i32
    %dma_wait3A_121 = tpu.memref_slice %arg7[%dma_wait3A_120] : memref<512xi32, #tpu.memory_space<vmem>> -> memref<128xi32, #tpu.memory_space<vmem>>
    %dma_wait3A_122 = arith.constant 0 : i32
    %dma_wait3A_123 = arith.constant 0 : i32
    %dma_wait3A_124 = tpu.memref_slice %arg2[%dma_wait3A_122, %dma_wait3A_123] : memref<79872x128xf32, #tpu.memory_space<hbm>> -> memref<79872x128xf32, #tpu.memory_space<hbm>>
    tpu.wait_indirect_dma semaphore(%arg9 : memref<!tpu.dma_semaphore, #tpu.memory_space<semaphore_mem>>) src(%dma_wait3A_124 : memref<79872x128xf32, #tpu.memory_space<hbm>>) dst(%dma_wait3A_119 : memref<128x128xf32, #tpu.memory_space<vmem>>)
    %dma_wait3A_125 = arith.constant 384 : i32
    %dma_wait3A_126 = arith.constant 0 : i32
    %dma_wait3A_127 = tpu.memref_slice %arg8[%dma_wait3A_125, %dma_wait3A_126] : memref<512x128xf32, #tpu.memory_space<vmem>> -> memref<128x128xf32, #tpu.memory_space<vmem>>
    %dma_wait3A_128 = arith.constant 384 : i32
    %dma_wait3A_129 = tpu.memref_slice %arg7[%dma_wait3A_128] : memref<512xi32, #tpu.memory_space<vmem>> -> memref<128xi32, #tpu.memory_space<vmem>>
    %dma_wait3A_130 = arith.constant 0 : i32
    %dma_wait3A_131 = arith.constant 0 : i32
    %dma_wait3A_132 = tpu.memref_slice %arg2[%dma_wait3A_130, %dma_wait3A_131] : memref<79872x128xf32, #tpu.memory_space<hbm>> -> memref<79872x128xf32, #tpu.memory_space<hbm>>
    tpu.wait_indirect_dma semaphore(%arg9 : memref<!tpu.dma_semaphore, #tpu.memory_space<semaphore_mem>>) src(%dma_wait3A_132 : memref<79872x128xf32, #tpu.memory_space<hbm>>) dst(%dma_wait3A_127 : memref<128x128xf32, #tpu.memory_space<vmem>>)
    "tpu.region"() ({
      %run_scoped3A = tpu.sem_alloc : memref<!tpu.dma_semaphore, #tpu.memory_space<semaphore_mem>>
      %dma_start3A_199 = arith.constant 0 : i32
      %dma_start3A_200 = tpu.memref_slice %arg5[%mul3A_2, %dma_start3A_199] : memref<16384x128xf32, #tpu.memory_space<hbm>> -> memref<512x128xf32, #tpu.memory_space<hbm>>
      %dma_start3A_201 = arith.constant 0 : i32
      %dma_start3A_202 = tpu.memref_slice %arg5[%mul3A_2, %dma_start3A_201] : memref<16384x128xf32, #tpu.memory_space<hbm>> -> memref<512x128xf32, #tpu.memory_space<hbm>>
      tpu.enqueue_dma source(%arg8 : memref<512x128xf32, #tpu.memory_space<vmem>>) target(%dma_start3A_202 : memref<512x128xf32, #tpu.memory_space<hbm>>) target_semaphore(%run_scoped3A : memref<!tpu.dma_semaphore, #tpu.memory_space<semaphore_mem>>)
      %dma_wait3A_203 = arith.constant 0 : i32
      %dma_wait3A_204 = tpu.memref_slice %arg5[%mul3A_2, %dma_wait3A_203] : memref<16384x128xf32, #tpu.memory_space<hbm>> -> memref<512x128xf32, #tpu.memory_space<hbm>>
      %dma_wait3A_205 = arith.constant 0 : i32
      %dma_wait3A_206 = tpu.memref_slice %arg5[%mul3A_2, %dma_wait3A_205] : memref<16384x128xf32, #tpu.memory_space<hbm>> -> memref<512x128xf32, #tpu.memory_space<hbm>>
      tpu.wait_dma2 semaphore(%run_scoped3A : memref<!tpu.dma_semaphore, #tpu.memory_space<semaphore_mem>>) src(%arg8 : memref<512x128xf32, #tpu.memory_space<vmem>>) dst(%dma_wait3A_206 : memref<512x128xf32, #tpu.memory_space<hbm>>)
      tpu.yield
    }) : () -> ()
    %add3A_133 = arith.constant 32768 : i32
    %add3A_134 = arith.addi %add3A_133, %mul3A_2 : i32
    "tpu.region"() ({
      %run_scoped3A = tpu.sem_alloc : memref<!tpu.dma_semaphore, #tpu.memory_space<semaphore_mem>>
      %dma_start3A_199 = tpu.memref_slice %arg3[%add3A_134] : memref<49152xi32, #tpu.memory_space<hbm>> -> memref<512xi32, #tpu.memory_space<hbm>>
      %dma_start3A_200 = tpu.memref_slice %arg3[%add3A_134] : memref<49152xi32, #tpu.memory_space<hbm>> -> memref<512xi32, #tpu.memory_space<hbm>>
      tpu.enqueue_dma source(%dma_start3A_200 : memref<512xi32, #tpu.memory_space<hbm>>) target(%arg7 : memref<512xi32, #tpu.memory_space<vmem>>) target_semaphore(%run_scoped3A : memref<!tpu.dma_semaphore, #tpu.memory_space<semaphore_mem>>)
      %dma_wait3A_201 = tpu.memref_slice %arg3[%add3A_134] : memref<49152xi32, #tpu.memory_space<hbm>> -> memref<512xi32, #tpu.memory_space<hbm>>
      %dma_wait3A_202 = tpu.memref_slice %arg3[%add3A_134] : memref<49152xi32, #tpu.memory_space<hbm>> -> memref<512xi32, #tpu.memory_space<hbm>>
      tpu.wait_dma2 semaphore(%run_scoped3A : memref<!tpu.dma_semaphore, #tpu.memory_space<semaphore_mem>>) src(%dma_wait3A_202 : memref<512xi32, #tpu.memory_space<hbm>>) dst(%arg7 : memref<512xi32, #tpu.memory_space<vmem>>)
      tpu.yield
    }) : () -> ()
    %dma_start3A_135 = arith.constant 0 : i32
    %dma_start3A_136 = arith.constant 0 : i32
    %dma_start3A_137 = tpu.memref_slice %arg8[%dma_start3A_135, %dma_start3A_136] : memref<512x128xf32, #tpu.memory_space<vmem>> -> memref<128x128xf32, #tpu.memory_space<vmem>>
    %dma_start3A_138 = arith.constant 0 : i32
    %dma_start3A_139 = tpu.memref_slice %arg7[%dma_start3A_138] : memref<512xi32, #tpu.memory_space<vmem>> -> memref<128xi32, #tpu.memory_space<vmem>>
    %dma_start3A_140 = arith.constant 0 : i32
    %dma_start3A_141 = arith.constant 0 : i32
    %dma_start3A_142 = tpu.memref_slice %arg2[%dma_start3A_140, %dma_start3A_141] : memref<79872x128xf32, #tpu.memory_space<hbm>> -> memref<79872x128xf32, #tpu.memory_space<hbm>>
    tpu.enqueue_indirect_dma source(%dma_start3A_142 : memref<79872x128xf32, #tpu.memory_space<hbm>>) target(%dma_start3A_137 : memref<128x128xf32, #tpu.memory_space<vmem>>) offsets(%dma_start3A_139 : memref<128xi32, #tpu.memory_space<vmem>>) semaphore(%arg9 : memref<!tpu.dma_semaphore, #tpu.memory_space<semaphore_mem>>)
    %dma_start3A_143 = arith.constant 128 : i32
    %dma_start3A_144 = arith.constant 0 : i32
    %dma_start3A_145 = tpu.memref_slice %arg8[%dma_start3A_143, %dma_start3A_144] : memref<512x128xf32, #tpu.memory_space<vmem>> -> memref<128x128xf32, #tpu.memory_space<vmem>>
    %dma_start3A_146 = arith.constant 128 : i32
    %dma_start3A_147 = tpu.memref_slice %arg7[%dma_start3A_146] : memref<512xi32, #tpu.memory_space<vmem>> -> memref<128xi32, #tpu.memory_space<vmem>>
    %dma_start3A_148 = arith.constant 0 : i32
    %dma_start3A_149 = arith.constant 0 : i32
    %dma_start3A_150 = tpu.memref_slice %arg2[%dma_start3A_148, %dma_start3A_149] : memref<79872x128xf32, #tpu.memory_space<hbm>> -> memref<79872x128xf32, #tpu.memory_space<hbm>>
    tpu.enqueue_indirect_dma source(%dma_start3A_150 : memref<79872x128xf32, #tpu.memory_space<hbm>>) target(%dma_start3A_145 : memref<128x128xf32, #tpu.memory_space<vmem>>) offsets(%dma_start3A_147 : memref<128xi32, #tpu.memory_space<vmem>>) semaphore(%arg9 : memref<!tpu.dma_semaphore, #tpu.memory_space<semaphore_mem>>)
    %dma_start3A_151 = arith.constant 256 : i32
    %dma_start3A_152 = arith.constant 0 : i32
    %dma_start3A_153 = tpu.memref_slice %arg8[%dma_start3A_151, %dma_start3A_152] : memref<512x128xf32, #tpu.memory_space<vmem>> -> memref<128x128xf32, #tpu.memory_space<vmem>>
    %dma_start3A_154 = arith.constant 256 : i32
    %dma_start3A_155 = tpu.memref_slice %arg7[%dma_start3A_154] : memref<512xi32, #tpu.memory_space<vmem>> -> memref<128xi32, #tpu.memory_space<vmem>>
    %dma_start3A_156 = arith.constant 0 : i32
    %dma_start3A_157 = arith.constant 0 : i32
    %dma_start3A_158 = tpu.memref_slice %arg2[%dma_start3A_156, %dma_start3A_157] : memref<79872x128xf32, #tpu.memory_space<hbm>> -> memref<79872x128xf32, #tpu.memory_space<hbm>>
    tpu.enqueue_indirect_dma source(%dma_start3A_158 : memref<79872x128xf32, #tpu.memory_space<hbm>>) target(%dma_start3A_153 : memref<128x128xf32, #tpu.memory_space<vmem>>) offsets(%dma_start3A_155 : memref<128xi32, #tpu.memory_space<vmem>>) semaphore(%arg9 : memref<!tpu.dma_semaphore, #tpu.memory_space<semaphore_mem>>)
    %dma_start3A_159 = arith.constant 384 : i32
    %dma_start3A_160 = arith.constant 0 : i32
    %dma_start3A_161 = tpu.memref_slice %arg8[%dma_start3A_159, %dma_start3A_160] : memref<512x128xf32, #tpu.memory_space<vmem>> -> memref<128x128xf32, #tpu.memory_space<vmem>>
    %dma_start3A_162 = arith.constant 384 : i32
    %dma_start3A_163 = tpu.memref_slice %arg7[%dma_start3A_162] : memref<512xi32, #tpu.memory_space<vmem>> -> memref<128xi32, #tpu.memory_space<vmem>>
    %dma_start3A_164 = arith.constant 0 : i32
    %dma_start3A_165 = arith.constant 0 : i32
    %dma_start3A_166 = tpu.memref_slice %arg2[%dma_start3A_164, %dma_start3A_165] : memref<79872x128xf32, #tpu.memory_space<hbm>> -> memref<79872x128xf32, #tpu.memory_space<hbm>>
    tpu.enqueue_indirect_dma source(%dma_start3A_166 : memref<79872x128xf32, #tpu.memory_space<hbm>>) target(%dma_start3A_161 : memref<128x128xf32, #tpu.memory_space<vmem>>) offsets(%dma_start3A_163 : memref<128xi32, #tpu.memory_space<vmem>>) semaphore(%arg9 : memref<!tpu.dma_semaphore, #tpu.memory_space<semaphore_mem>>)
    %dma_wait3A_167 = arith.constant 0 : i32
    %dma_wait3A_168 = arith.constant 0 : i32
    %dma_wait3A_169 = tpu.memref_slice %arg8[%dma_wait3A_167, %dma_wait3A_168] : memref<512x128xf32, #tpu.memory_space<vmem>> -> memref<128x128xf32, #tpu.memory_space<vmem>>
    %dma_wait3A_170 = arith.constant 0 : i32
    %dma_wait3A_171 = tpu.memref_slice %arg7[%dma_wait3A_170] : memref<512xi32, #tpu.memory_space<vmem>> -> memref<128xi32, #tpu.memory_space<vmem>>
    %dma_wait3A_172 = arith.constant 0 : i32
    %dma_wait3A_173 = arith.constant 0 : i32
    %dma_wait3A_174 = tpu.memref_slice %arg2[%dma_wait3A_172, %dma_wait3A_173] : memref<79872x128xf32, #tpu.memory_space<hbm>> -> memref<79872x128xf32, #tpu.memory_space<hbm>>
    tpu.wait_indirect_dma semaphore(%arg9 : memref<!tpu.dma_semaphore, #tpu.memory_space<semaphore_mem>>) src(%dma_wait3A_174 : memref<79872x128xf32, #tpu.memory_space<hbm>>) dst(%dma_wait3A_169 : memref<128x128xf32, #tpu.memory_space<vmem>>)
    %dma_wait3A_175 = arith.constant 128 : i32
    %dma_wait3A_176 = arith.constant 0 : i32
    %dma_wait3A_177 = tpu.memref_slice %arg8[%dma_wait3A_175, %dma_wait3A_176] : memref<512x128xf32, #tpu.memory_space<vmem>> -> memref<128x128xf32, #tpu.memory_space<vmem>>
    %dma_wait3A_178 = arith.constant 128 : i32
    %dma_wait3A_179 = tpu.memref_slice %arg7[%dma_wait3A_178] : memref<512xi32, #tpu.memory_space<vmem>> -> memref<128xi32, #tpu.memory_space<vmem>>
    %dma_wait3A_180 = arith.constant 0 : i32
    %dma_wait3A_181 = arith.constant 0 : i32
    %dma_wait3A_182 = tpu.memref_slice %arg2[%dma_wait3A_180, %dma_wait3A_181] : memref<79872x128xf32, #tpu.memory_space<hbm>> -> memref<79872x128xf32, #tpu.memory_space<hbm>>
    tpu.wait_indirect_dma semaphore(%arg9 : memref<!tpu.dma_semaphore, #tpu.memory_space<semaphore_mem>>) src(%dma_wait3A_182 : memref<79872x128xf32, #tpu.memory_space<hbm>>) dst(%dma_wait3A_177 : memref<128x128xf32, #tpu.memory_space<vmem>>)
    %dma_wait3A_183 = arith.constant 256 : i32
    %dma_wait3A_184 = arith.constant 0 : i32
    %dma_wait3A_185 = tpu.memref_slice %arg8[%dma_wait3A_183, %dma_wait3A_184] : memref<512x128xf32, #tpu.memory_space<vmem>> -> memref<128x128xf32, #tpu.memory_space<vmem>>
    %dma_wait3A_186 = arith.constant 256 : i32
    %dma_wait3A_187 = tpu.memref_slice %arg7[%dma_wait3A_186] : memref<512xi32, #tpu.memory_space<vmem>> -> memref<128xi32, #tpu.memory_space<vmem>>
    %dma_wait3A_188 = arith.constant 0 : i32
    %dma_wait3A_189 = arith.constant 0 : i32
    %dma_wait3A_190 = tpu.memref_slice %arg2[%dma_wait3A_188, %dma_wait3A_189] : memref<79872x128xf32, #tpu.memory_space<hbm>> -> memref<79872x128xf32, #tpu.memory_space<hbm>>
    tpu.wait_indirect_dma semaphore(%arg9 : memref<!tpu.dma_semaphore, #tpu.memory_space<semaphore_mem>>) src(%dma_wait3A_190 : memref<79872x128xf32, #tpu.memory_space<hbm>>) dst(%dma_wait3A_185 : memref<128x128xf32, #tpu.memory_space<vmem>>)
    %dma_wait3A_191 = arith.constant 384 : i32
    %dma_wait3A_192 = arith.constant 0 : i32
    %dma_wait3A_193 = tpu.memref_slice %arg8[%dma_wait3A_191, %dma_wait3A_192] : memref<512x128xf32, #tpu.memory_space<vmem>> -> memref<128x128xf32, #tpu.memory_space<vmem>>
    %dma_wait3A_194 = arith.constant 384 : i32
    %dma_wait3A_195 = tpu.memref_slice %arg7[%dma_wait3A_194] : memref<512xi32, #tpu.memory_space<vmem>> -> memref<128xi32, #tpu.memory_space<vmem>>
    %dma_wait3A_196 = arith.constant 0 : i32
    %dma_wait3A_197 = arith.constant 0 : i32
    %dma_wait3A_198 = tpu.memref_slice %arg2[%dma_wait3A_196, %dma_wait3A_197] : memref<79872x128xf32, #tpu.memory_space<hbm>> -> memref<79872x128xf32, #tpu.memory_space<hbm>>
    tpu.wait_indirect_dma semaphore(%arg9 : memref<!tpu.dma_semaphore, #tpu.memory_space<semaphore_mem>>) src(%dma_wait3A_198 : memref<79872x128xf32, #tpu.memory_space<hbm>>) dst(%dma_wait3A_193 : memref<128x128xf32, #tpu.memory_space<vmem>>)
    "tpu.region"() ({
      %run_scoped3A = tpu.sem_alloc : memref<!tpu.dma_semaphore, #tpu.memory_space<semaphore_mem>>
      %dma_start3A_199 = arith.constant 0 : i32
      %dma_start3A_200 = tpu.memref_slice %arg6[%mul3A_2, %dma_start3A_199] : memref<16384x128xf32, #tpu.memory_space<hbm>> -> memref<512x128xf32, #tpu.memory_space<hbm>>
      %dma_start3A_201 = arith.constant 0 : i32
      %dma_start3A_202 = tpu.memref_slice %arg6[%mul3A_2, %dma_start3A_201] : memref<16384x128xf32, #tpu.memory_space<hbm>> -> memref<512x128xf32, #tpu.memory_space<hbm>>
      tpu.enqueue_dma source(%arg8 : memref<512x128xf32, #tpu.memory_space<vmem>>) target(%dma_start3A_202 : memref<512x128xf32, #tpu.memory_space<hbm>>) target_semaphore(%run_scoped3A : memref<!tpu.dma_semaphore, #tpu.memory_space<semaphore_mem>>)
      %dma_wait3A_203 = arith.constant 0 : i32
      %dma_wait3A_204 = tpu.memref_slice %arg6[%mul3A_2, %dma_wait3A_203] : memref<16384x128xf32, #tpu.memory_space<hbm>> -> memref<512x128xf32, #tpu.memory_space<hbm>>
      %dma_wait3A_205 = arith.constant 0 : i32
      %dma_wait3A_206 = tpu.memref_slice %arg6[%mul3A_2, %dma_wait3A_205] : memref<16384x128xf32, #tpu.memory_space<hbm>> -> memref<512x128xf32, #tpu.memory_space<hbm>>
      tpu.wait_dma2 semaphore(%run_scoped3A : memref<!tpu.dma_semaphore, #tpu.memory_space<semaphore_mem>>) src(%arg8 : memref<512x128xf32, #tpu.memory_space<vmem>>) dst(%dma_wait3A_206 : memref<512x128xf32, #tpu.memory_space<hbm>>)
      tpu.yield
    }) : () -> ()
    return
  }
}

#map = affine_map<(d0, d1) -> (0, 0)>
#map1 = affine_map<(d0, d1) -> (0)>
module attributes {stable_mosaic.version = 14 : i64} {
  func.func @_sc_gather_i_body(%arg0: i32, %arg1: i32, %arg2: memref<106496x128xf32, #tpu.memory_space<hbm>>, %arg3: memref<65536xi32, #tpu.memory_space<hbm>>, %arg4: memref<16384x128xf32, #tpu.memory_space<hbm>>, %arg5: memref<16384x128xf32, #tpu.memory_space<hbm>>, %arg6: memref<16384x128xf32, #tpu.memory_space<hbm>>, %arg7: memref<16384x128xf32, #tpu.memory_space<hbm>>, %arg8: memref<512xi32, #tpu.memory_space<vmem>>, %arg9: memref<512x128xf32, #tpu.memory_space<vmem>>, %arg10: memref<!tpu.dma_semaphore, #tpu.memory_space<semaphore_mem>>) attributes {dimension_semantics = [#tpu.dimension_semantics<core_parallel>, #tpu.dimension_semantics<subcore_parallel>], iteration_bounds = array<i64: 2, 16>, scalar_prefetch = 0 : i64, scratch_operands = 3 : i64, tpu.core_type = #tpu.core_type<sc_vector_subcore>, window_params = [{transform_indices = #map}, {transform_indices = #map1}, {transform_indices = #map}, {transform_indices = #map}, {transform_indices = #map}, {transform_indices = #map}]} {
    %mul3A = arith.constant 2 : i32
    %mul3A_0 = arith.muli %arg1, %mul3A : i32
    %add3A = arith.addi %mul3A_0, %arg0 : i32
    %mul3A_1 = arith.constant 512 : i32
    %mul3A_2 = arith.muli %add3A, %mul3A_1 : i32
    %add3A_3 = arith.constant 0 : i32
    %add3A_4 = arith.addi %add3A_3, %mul3A_2 : i32
    "tpu.region"() ({
      %run_scoped3A = tpu.sem_alloc : memref<!tpu.dma_semaphore, #tpu.memory_space<semaphore_mem>>
      %dma_start3A_265 = tpu.memref_slice %arg3[%add3A_4] : memref<65536xi32, #tpu.memory_space<hbm>> -> memref<512xi32, #tpu.memory_space<hbm>>
      %dma_start3A_266 = tpu.memref_slice %arg3[%add3A_4] : memref<65536xi32, #tpu.memory_space<hbm>> -> memref<512xi32, #tpu.memory_space<hbm>>
      tpu.enqueue_dma source(%dma_start3A_266 : memref<512xi32, #tpu.memory_space<hbm>>) target(%arg8 : memref<512xi32, #tpu.memory_space<vmem>>) target_semaphore(%run_scoped3A : memref<!tpu.dma_semaphore, #tpu.memory_space<semaphore_mem>>)
      %dma_wait3A_267 = tpu.memref_slice %arg3[%add3A_4] : memref<65536xi32, #tpu.memory_space<hbm>> -> memref<512xi32, #tpu.memory_space<hbm>>
      %dma_wait3A_268 = tpu.memref_slice %arg3[%add3A_4] : memref<65536xi32, #tpu.memory_space<hbm>> -> memref<512xi32, #tpu.memory_space<hbm>>
      tpu.wait_dma2 semaphore(%run_scoped3A : memref<!tpu.dma_semaphore, #tpu.memory_space<semaphore_mem>>) src(%dma_wait3A_268 : memref<512xi32, #tpu.memory_space<hbm>>) dst(%arg8 : memref<512xi32, #tpu.memory_space<vmem>>)
      tpu.yield
    }) : () -> ()
    %dma_start3A = arith.constant 0 : i32
    %dma_start3A_5 = arith.constant 0 : i32
    %dma_start3A_6 = tpu.memref_slice %arg9[%dma_start3A, %dma_start3A_5] : memref<512x128xf32, #tpu.memory_space<vmem>> -> memref<128x128xf32, #tpu.memory_space<vmem>>
    %dma_start3A_7 = arith.constant 0 : i32
    %dma_start3A_8 = tpu.memref_slice %arg8[%dma_start3A_7] : memref<512xi32, #tpu.memory_space<vmem>> -> memref<128xi32, #tpu.memory_space<vmem>>
    %dma_start3A_9 = arith.constant 0 : i32
    %dma_start3A_10 = arith.constant 0 : i32
    %dma_start3A_11 = tpu.memref_slice %arg2[%dma_start3A_9, %dma_start3A_10] : memref<106496x128xf32, #tpu.memory_space<hbm>> -> memref<106496x128xf32, #tpu.memory_space<hbm>>
    tpu.enqueue_indirect_dma source(%dma_start3A_11 : memref<106496x128xf32, #tpu.memory_space<hbm>>) target(%dma_start3A_6 : memref<128x128xf32, #tpu.memory_space<vmem>>) offsets(%dma_start3A_8 : memref<128xi32, #tpu.memory_space<vmem>>) semaphore(%arg10 : memref<!tpu.dma_semaphore, #tpu.memory_space<semaphore_mem>>)
    %dma_start3A_12 = arith.constant 128 : i32
    %dma_start3A_13 = arith.constant 0 : i32
    %dma_start3A_14 = tpu.memref_slice %arg9[%dma_start3A_12, %dma_start3A_13] : memref<512x128xf32, #tpu.memory_space<vmem>> -> memref<128x128xf32, #tpu.memory_space<vmem>>
    %dma_start3A_15 = arith.constant 128 : i32
    %dma_start3A_16 = tpu.memref_slice %arg8[%dma_start3A_15] : memref<512xi32, #tpu.memory_space<vmem>> -> memref<128xi32, #tpu.memory_space<vmem>>
    %dma_start3A_17 = arith.constant 0 : i32
    %dma_start3A_18 = arith.constant 0 : i32
    %dma_start3A_19 = tpu.memref_slice %arg2[%dma_start3A_17, %dma_start3A_18] : memref<106496x128xf32, #tpu.memory_space<hbm>> -> memref<106496x128xf32, #tpu.memory_space<hbm>>
    tpu.enqueue_indirect_dma source(%dma_start3A_19 : memref<106496x128xf32, #tpu.memory_space<hbm>>) target(%dma_start3A_14 : memref<128x128xf32, #tpu.memory_space<vmem>>) offsets(%dma_start3A_16 : memref<128xi32, #tpu.memory_space<vmem>>) semaphore(%arg10 : memref<!tpu.dma_semaphore, #tpu.memory_space<semaphore_mem>>)
    %dma_start3A_20 = arith.constant 256 : i32
    %dma_start3A_21 = arith.constant 0 : i32
    %dma_start3A_22 = tpu.memref_slice %arg9[%dma_start3A_20, %dma_start3A_21] : memref<512x128xf32, #tpu.memory_space<vmem>> -> memref<128x128xf32, #tpu.memory_space<vmem>>
    %dma_start3A_23 = arith.constant 256 : i32
    %dma_start3A_24 = tpu.memref_slice %arg8[%dma_start3A_23] : memref<512xi32, #tpu.memory_space<vmem>> -> memref<128xi32, #tpu.memory_space<vmem>>
    %dma_start3A_25 = arith.constant 0 : i32
    %dma_start3A_26 = arith.constant 0 : i32
    %dma_start3A_27 = tpu.memref_slice %arg2[%dma_start3A_25, %dma_start3A_26] : memref<106496x128xf32, #tpu.memory_space<hbm>> -> memref<106496x128xf32, #tpu.memory_space<hbm>>
    tpu.enqueue_indirect_dma source(%dma_start3A_27 : memref<106496x128xf32, #tpu.memory_space<hbm>>) target(%dma_start3A_22 : memref<128x128xf32, #tpu.memory_space<vmem>>) offsets(%dma_start3A_24 : memref<128xi32, #tpu.memory_space<vmem>>) semaphore(%arg10 : memref<!tpu.dma_semaphore, #tpu.memory_space<semaphore_mem>>)
    %dma_start3A_28 = arith.constant 384 : i32
    %dma_start3A_29 = arith.constant 0 : i32
    %dma_start3A_30 = tpu.memref_slice %arg9[%dma_start3A_28, %dma_start3A_29] : memref<512x128xf32, #tpu.memory_space<vmem>> -> memref<128x128xf32, #tpu.memory_space<vmem>>
    %dma_start3A_31 = arith.constant 384 : i32
    %dma_start3A_32 = tpu.memref_slice %arg8[%dma_start3A_31] : memref<512xi32, #tpu.memory_space<vmem>> -> memref<128xi32, #tpu.memory_space<vmem>>
    %dma_start3A_33 = arith.constant 0 : i32
    %dma_start3A_34 = arith.constant 0 : i32
    %dma_start3A_35 = tpu.memref_slice %arg2[%dma_start3A_33, %dma_start3A_34] : memref<106496x128xf32, #tpu.memory_space<hbm>> -> memref<106496x128xf32, #tpu.memory_space<hbm>>
    tpu.enqueue_indirect_dma source(%dma_start3A_35 : memref<106496x128xf32, #tpu.memory_space<hbm>>) target(%dma_start3A_30 : memref<128x128xf32, #tpu.memory_space<vmem>>) offsets(%dma_start3A_32 : memref<128xi32, #tpu.memory_space<vmem>>) semaphore(%arg10 : memref<!tpu.dma_semaphore, #tpu.memory_space<semaphore_mem>>)
    %dma_wait3A = arith.constant 0 : i32
    %dma_wait3A_36 = arith.constant 0 : i32
    %dma_wait3A_37 = tpu.memref_slice %arg9[%dma_wait3A, %dma_wait3A_36] : memref<512x128xf32, #tpu.memory_space<vmem>> -> memref<128x128xf32, #tpu.memory_space<vmem>>
    %dma_wait3A_38 = arith.constant 0 : i32
    %dma_wait3A_39 = tpu.memref_slice %arg8[%dma_wait3A_38] : memref<512xi32, #tpu.memory_space<vmem>> -> memref<128xi32, #tpu.memory_space<vmem>>
    %dma_wait3A_40 = arith.constant 0 : i32
    %dma_wait3A_41 = arith.constant 0 : i32
    %dma_wait3A_42 = tpu.memref_slice %arg2[%dma_wait3A_40, %dma_wait3A_41] : memref<106496x128xf32, #tpu.memory_space<hbm>> -> memref<106496x128xf32, #tpu.memory_space<hbm>>
    tpu.wait_indirect_dma semaphore(%arg10 : memref<!tpu.dma_semaphore, #tpu.memory_space<semaphore_mem>>) src(%dma_wait3A_42 : memref<106496x128xf32, #tpu.memory_space<hbm>>) dst(%dma_wait3A_37 : memref<128x128xf32, #tpu.memory_space<vmem>>)
    %dma_wait3A_43 = arith.constant 128 : i32
    %dma_wait3A_44 = arith.constant 0 : i32
    %dma_wait3A_45 = tpu.memref_slice %arg9[%dma_wait3A_43, %dma_wait3A_44] : memref<512x128xf32, #tpu.memory_space<vmem>> -> memref<128x128xf32, #tpu.memory_space<vmem>>
    %dma_wait3A_46 = arith.constant 128 : i32
    %dma_wait3A_47 = tpu.memref_slice %arg8[%dma_wait3A_46] : memref<512xi32, #tpu.memory_space<vmem>> -> memref<128xi32, #tpu.memory_space<vmem>>
    %dma_wait3A_48 = arith.constant 0 : i32
    %dma_wait3A_49 = arith.constant 0 : i32
    %dma_wait3A_50 = tpu.memref_slice %arg2[%dma_wait3A_48, %dma_wait3A_49] : memref<106496x128xf32, #tpu.memory_space<hbm>> -> memref<106496x128xf32, #tpu.memory_space<hbm>>
    tpu.wait_indirect_dma semaphore(%arg10 : memref<!tpu.dma_semaphore, #tpu.memory_space<semaphore_mem>>) src(%dma_wait3A_50 : memref<106496x128xf32, #tpu.memory_space<hbm>>) dst(%dma_wait3A_45 : memref<128x128xf32, #tpu.memory_space<vmem>>)
    %dma_wait3A_51 = arith.constant 256 : i32
    %dma_wait3A_52 = arith.constant 0 : i32
    %dma_wait3A_53 = tpu.memref_slice %arg9[%dma_wait3A_51, %dma_wait3A_52] : memref<512x128xf32, #tpu.memory_space<vmem>> -> memref<128x128xf32, #tpu.memory_space<vmem>>
    %dma_wait3A_54 = arith.constant 256 : i32
    %dma_wait3A_55 = tpu.memref_slice %arg8[%dma_wait3A_54] : memref<512xi32, #tpu.memory_space<vmem>> -> memref<128xi32, #tpu.memory_space<vmem>>
    %dma_wait3A_56 = arith.constant 0 : i32
    %dma_wait3A_57 = arith.constant 0 : i32
    %dma_wait3A_58 = tpu.memref_slice %arg2[%dma_wait3A_56, %dma_wait3A_57] : memref<106496x128xf32, #tpu.memory_space<hbm>> -> memref<106496x128xf32, #tpu.memory_space<hbm>>
    tpu.wait_indirect_dma semaphore(%arg10 : memref<!tpu.dma_semaphore, #tpu.memory_space<semaphore_mem>>) src(%dma_wait3A_58 : memref<106496x128xf32, #tpu.memory_space<hbm>>) dst(%dma_wait3A_53 : memref<128x128xf32, #tpu.memory_space<vmem>>)
    %dma_wait3A_59 = arith.constant 384 : i32
    %dma_wait3A_60 = arith.constant 0 : i32
    %dma_wait3A_61 = tpu.memref_slice %arg9[%dma_wait3A_59, %dma_wait3A_60] : memref<512x128xf32, #tpu.memory_space<vmem>> -> memref<128x128xf32, #tpu.memory_space<vmem>>
    %dma_wait3A_62 = arith.constant 384 : i32
    %dma_wait3A_63 = tpu.memref_slice %arg8[%dma_wait3A_62] : memref<512xi32, #tpu.memory_space<vmem>> -> memref<128xi32, #tpu.memory_space<vmem>>
    %dma_wait3A_64 = arith.constant 0 : i32
    %dma_wait3A_65 = arith.constant 0 : i32
    %dma_wait3A_66 = tpu.memref_slice %arg2[%dma_wait3A_64, %dma_wait3A_65] : memref<106496x128xf32, #tpu.memory_space<hbm>> -> memref<106496x128xf32, #tpu.memory_space<hbm>>
    tpu.wait_indirect_dma semaphore(%arg10 : memref<!tpu.dma_semaphore, #tpu.memory_space<semaphore_mem>>) src(%dma_wait3A_66 : memref<106496x128xf32, #tpu.memory_space<hbm>>) dst(%dma_wait3A_61 : memref<128x128xf32, #tpu.memory_space<vmem>>)
    "tpu.region"() ({
      %run_scoped3A = tpu.sem_alloc : memref<!tpu.dma_semaphore, #tpu.memory_space<semaphore_mem>>
      %dma_start3A_265 = arith.constant 0 : i32
      %dma_start3A_266 = tpu.memref_slice %arg4[%mul3A_2, %dma_start3A_265] : memref<16384x128xf32, #tpu.memory_space<hbm>> -> memref<512x128xf32, #tpu.memory_space<hbm>>
      %dma_start3A_267 = arith.constant 0 : i32
      %dma_start3A_268 = tpu.memref_slice %arg4[%mul3A_2, %dma_start3A_267] : memref<16384x128xf32, #tpu.memory_space<hbm>> -> memref<512x128xf32, #tpu.memory_space<hbm>>
      tpu.enqueue_dma source(%arg9 : memref<512x128xf32, #tpu.memory_space<vmem>>) target(%dma_start3A_268 : memref<512x128xf32, #tpu.memory_space<hbm>>) target_semaphore(%run_scoped3A : memref<!tpu.dma_semaphore, #tpu.memory_space<semaphore_mem>>)
      %dma_wait3A_269 = arith.constant 0 : i32
      %dma_wait3A_270 = tpu.memref_slice %arg4[%mul3A_2, %dma_wait3A_269] : memref<16384x128xf32, #tpu.memory_space<hbm>> -> memref<512x128xf32, #tpu.memory_space<hbm>>
      %dma_wait3A_271 = arith.constant 0 : i32
      %dma_wait3A_272 = tpu.memref_slice %arg4[%mul3A_2, %dma_wait3A_271] : memref<16384x128xf32, #tpu.memory_space<hbm>> -> memref<512x128xf32, #tpu.memory_space<hbm>>
      tpu.wait_dma2 semaphore(%run_scoped3A : memref<!tpu.dma_semaphore, #tpu.memory_space<semaphore_mem>>) src(%arg9 : memref<512x128xf32, #tpu.memory_space<vmem>>) dst(%dma_wait3A_272 : memref<512x128xf32, #tpu.memory_space<hbm>>)
      tpu.yield
    }) : () -> ()
    %add3A_67 = arith.constant 16384 : i32
    %add3A_68 = arith.addi %add3A_67, %mul3A_2 : i32
    "tpu.region"() ({
      %run_scoped3A = tpu.sem_alloc : memref<!tpu.dma_semaphore, #tpu.memory_space<semaphore_mem>>
      %dma_start3A_265 = tpu.memref_slice %arg3[%add3A_68] : memref<65536xi32, #tpu.memory_space<hbm>> -> memref<512xi32, #tpu.memory_space<hbm>>
      %dma_start3A_266 = tpu.memref_slice %arg3[%add3A_68] : memref<65536xi32, #tpu.memory_space<hbm>> -> memref<512xi32, #tpu.memory_space<hbm>>
      tpu.enqueue_dma source(%dma_start3A_266 : memref<512xi32, #tpu.memory_space<hbm>>) target(%arg8 : memref<512xi32, #tpu.memory_space<vmem>>) target_semaphore(%run_scoped3A : memref<!tpu.dma_semaphore, #tpu.memory_space<semaphore_mem>>)
      %dma_wait3A_267 = tpu.memref_slice %arg3[%add3A_68] : memref<65536xi32, #tpu.memory_space<hbm>> -> memref<512xi32, #tpu.memory_space<hbm>>
      %dma_wait3A_268 = tpu.memref_slice %arg3[%add3A_68] : memref<65536xi32, #tpu.memory_space<hbm>> -> memref<512xi32, #tpu.memory_space<hbm>>
      tpu.wait_dma2 semaphore(%run_scoped3A : memref<!tpu.dma_semaphore, #tpu.memory_space<semaphore_mem>>) src(%dma_wait3A_268 : memref<512xi32, #tpu.memory_space<hbm>>) dst(%arg8 : memref<512xi32, #tpu.memory_space<vmem>>)
      tpu.yield
    }) : () -> ()
    %dma_start3A_69 = arith.constant 0 : i32
    %dma_start3A_70 = arith.constant 0 : i32
    %dma_start3A_71 = tpu.memref_slice %arg9[%dma_start3A_69, %dma_start3A_70] : memref<512x128xf32, #tpu.memory_space<vmem>> -> memref<128x128xf32, #tpu.memory_space<vmem>>
    %dma_start3A_72 = arith.constant 0 : i32
    %dma_start3A_73 = tpu.memref_slice %arg8[%dma_start3A_72] : memref<512xi32, #tpu.memory_space<vmem>> -> memref<128xi32, #tpu.memory_space<vmem>>
    %dma_start3A_74 = arith.constant 0 : i32
    %dma_start3A_75 = arith.constant 0 : i32
    %dma_start3A_76 = tpu.memref_slice %arg2[%dma_start3A_74, %dma_start3A_75] : memref<106496x128xf32, #tpu.memory_space<hbm>> -> memref<106496x128xf32, #tpu.memory_space<hbm>>
    tpu.enqueue_indirect_dma source(%dma_start3A_76 : memref<106496x128xf32, #tpu.memory_space<hbm>>) target(%dma_start3A_71 : memref<128x128xf32, #tpu.memory_space<vmem>>) offsets(%dma_start3A_73 : memref<128xi32, #tpu.memory_space<vmem>>) semaphore(%arg10 : memref<!tpu.dma_semaphore, #tpu.memory_space<semaphore_mem>>)
    %dma_start3A_77 = arith.constant 128 : i32
    %dma_start3A_78 = arith.constant 0 : i32
    %dma_start3A_79 = tpu.memref_slice %arg9[%dma_start3A_77, %dma_start3A_78] : memref<512x128xf32, #tpu.memory_space<vmem>> -> memref<128x128xf32, #tpu.memory_space<vmem>>
    %dma_start3A_80 = arith.constant 128 : i32
    %dma_start3A_81 = tpu.memref_slice %arg8[%dma_start3A_80] : memref<512xi32, #tpu.memory_space<vmem>> -> memref<128xi32, #tpu.memory_space<vmem>>
    %dma_start3A_82 = arith.constant 0 : i32
    %dma_start3A_83 = arith.constant 0 : i32
    %dma_start3A_84 = tpu.memref_slice %arg2[%dma_start3A_82, %dma_start3A_83] : memref<106496x128xf32, #tpu.memory_space<hbm>> -> memref<106496x128xf32, #tpu.memory_space<hbm>>
    tpu.enqueue_indirect_dma source(%dma_start3A_84 : memref<106496x128xf32, #tpu.memory_space<hbm>>) target(%dma_start3A_79 : memref<128x128xf32, #tpu.memory_space<vmem>>) offsets(%dma_start3A_81 : memref<128xi32, #tpu.memory_space<vmem>>) semaphore(%arg10 : memref<!tpu.dma_semaphore, #tpu.memory_space<semaphore_mem>>)
    %dma_start3A_85 = arith.constant 256 : i32
    %dma_start3A_86 = arith.constant 0 : i32
    %dma_start3A_87 = tpu.memref_slice %arg9[%dma_start3A_85, %dma_start3A_86] : memref<512x128xf32, #tpu.memory_space<vmem>> -> memref<128x128xf32, #tpu.memory_space<vmem>>
    %dma_start3A_88 = arith.constant 256 : i32
    %dma_start3A_89 = tpu.memref_slice %arg8[%dma_start3A_88] : memref<512xi32, #tpu.memory_space<vmem>> -> memref<128xi32, #tpu.memory_space<vmem>>
    %dma_start3A_90 = arith.constant 0 : i32
    %dma_start3A_91 = arith.constant 0 : i32
    %dma_start3A_92 = tpu.memref_slice %arg2[%dma_start3A_90, %dma_start3A_91] : memref<106496x128xf32, #tpu.memory_space<hbm>> -> memref<106496x128xf32, #tpu.memory_space<hbm>>
    tpu.enqueue_indirect_dma source(%dma_start3A_92 : memref<106496x128xf32, #tpu.memory_space<hbm>>) target(%dma_start3A_87 : memref<128x128xf32, #tpu.memory_space<vmem>>) offsets(%dma_start3A_89 : memref<128xi32, #tpu.memory_space<vmem>>) semaphore(%arg10 : memref<!tpu.dma_semaphore, #tpu.memory_space<semaphore_mem>>)
    %dma_start3A_93 = arith.constant 384 : i32
    %dma_start3A_94 = arith.constant 0 : i32
    %dma_start3A_95 = tpu.memref_slice %arg9[%dma_start3A_93, %dma_start3A_94] : memref<512x128xf32, #tpu.memory_space<vmem>> -> memref<128x128xf32, #tpu.memory_space<vmem>>
    %dma_start3A_96 = arith.constant 384 : i32
    %dma_start3A_97 = tpu.memref_slice %arg8[%dma_start3A_96] : memref<512xi32, #tpu.memory_space<vmem>> -> memref<128xi32, #tpu.memory_space<vmem>>
    %dma_start3A_98 = arith.constant 0 : i32
    %dma_start3A_99 = arith.constant 0 : i32
    %dma_start3A_100 = tpu.memref_slice %arg2[%dma_start3A_98, %dma_start3A_99] : memref<106496x128xf32, #tpu.memory_space<hbm>> -> memref<106496x128xf32, #tpu.memory_space<hbm>>
    tpu.enqueue_indirect_dma source(%dma_start3A_100 : memref<106496x128xf32, #tpu.memory_space<hbm>>) target(%dma_start3A_95 : memref<128x128xf32, #tpu.memory_space<vmem>>) offsets(%dma_start3A_97 : memref<128xi32, #tpu.memory_space<vmem>>) semaphore(%arg10 : memref<!tpu.dma_semaphore, #tpu.memory_space<semaphore_mem>>)
    %dma_wait3A_101 = arith.constant 0 : i32
    %dma_wait3A_102 = arith.constant 0 : i32
    %dma_wait3A_103 = tpu.memref_slice %arg9[%dma_wait3A_101, %dma_wait3A_102] : memref<512x128xf32, #tpu.memory_space<vmem>> -> memref<128x128xf32, #tpu.memory_space<vmem>>
    %dma_wait3A_104 = arith.constant 0 : i32
    %dma_wait3A_105 = tpu.memref_slice %arg8[%dma_wait3A_104] : memref<512xi32, #tpu.memory_space<vmem>> -> memref<128xi32, #tpu.memory_space<vmem>>
    %dma_wait3A_106 = arith.constant 0 : i32
    %dma_wait3A_107 = arith.constant 0 : i32
    %dma_wait3A_108 = tpu.memref_slice %arg2[%dma_wait3A_106, %dma_wait3A_107] : memref<106496x128xf32, #tpu.memory_space<hbm>> -> memref<106496x128xf32, #tpu.memory_space<hbm>>
    tpu.wait_indirect_dma semaphore(%arg10 : memref<!tpu.dma_semaphore, #tpu.memory_space<semaphore_mem>>) src(%dma_wait3A_108 : memref<106496x128xf32, #tpu.memory_space<hbm>>) dst(%dma_wait3A_103 : memref<128x128xf32, #tpu.memory_space<vmem>>)
    %dma_wait3A_109 = arith.constant 128 : i32
    %dma_wait3A_110 = arith.constant 0 : i32
    %dma_wait3A_111 = tpu.memref_slice %arg9[%dma_wait3A_109, %dma_wait3A_110] : memref<512x128xf32, #tpu.memory_space<vmem>> -> memref<128x128xf32, #tpu.memory_space<vmem>>
    %dma_wait3A_112 = arith.constant 128 : i32
    %dma_wait3A_113 = tpu.memref_slice %arg8[%dma_wait3A_112] : memref<512xi32, #tpu.memory_space<vmem>> -> memref<128xi32, #tpu.memory_space<vmem>>
    %dma_wait3A_114 = arith.constant 0 : i32
    %dma_wait3A_115 = arith.constant 0 : i32
    %dma_wait3A_116 = tpu.memref_slice %arg2[%dma_wait3A_114, %dma_wait3A_115] : memref<106496x128xf32, #tpu.memory_space<hbm>> -> memref<106496x128xf32, #tpu.memory_space<hbm>>
    tpu.wait_indirect_dma semaphore(%arg10 : memref<!tpu.dma_semaphore, #tpu.memory_space<semaphore_mem>>) src(%dma_wait3A_116 : memref<106496x128xf32, #tpu.memory_space<hbm>>) dst(%dma_wait3A_111 : memref<128x128xf32, #tpu.memory_space<vmem>>)
    %dma_wait3A_117 = arith.constant 256 : i32
    %dma_wait3A_118 = arith.constant 0 : i32
    %dma_wait3A_119 = tpu.memref_slice %arg9[%dma_wait3A_117, %dma_wait3A_118] : memref<512x128xf32, #tpu.memory_space<vmem>> -> memref<128x128xf32, #tpu.memory_space<vmem>>
    %dma_wait3A_120 = arith.constant 256 : i32
    %dma_wait3A_121 = tpu.memref_slice %arg8[%dma_wait3A_120] : memref<512xi32, #tpu.memory_space<vmem>> -> memref<128xi32, #tpu.memory_space<vmem>>
    %dma_wait3A_122 = arith.constant 0 : i32
    %dma_wait3A_123 = arith.constant 0 : i32
    %dma_wait3A_124 = tpu.memref_slice %arg2[%dma_wait3A_122, %dma_wait3A_123] : memref<106496x128xf32, #tpu.memory_space<hbm>> -> memref<106496x128xf32, #tpu.memory_space<hbm>>
    tpu.wait_indirect_dma semaphore(%arg10 : memref<!tpu.dma_semaphore, #tpu.memory_space<semaphore_mem>>) src(%dma_wait3A_124 : memref<106496x128xf32, #tpu.memory_space<hbm>>) dst(%dma_wait3A_119 : memref<128x128xf32, #tpu.memory_space<vmem>>)
    %dma_wait3A_125 = arith.constant 384 : i32
    %dma_wait3A_126 = arith.constant 0 : i32
    %dma_wait3A_127 = tpu.memref_slice %arg9[%dma_wait3A_125, %dma_wait3A_126] : memref<512x128xf32, #tpu.memory_space<vmem>> -> memref<128x128xf32, #tpu.memory_space<vmem>>
    %dma_wait3A_128 = arith.constant 384 : i32
    %dma_wait3A_129 = tpu.memref_slice %arg8[%dma_wait3A_128] : memref<512xi32, #tpu.memory_space<vmem>> -> memref<128xi32, #tpu.memory_space<vmem>>
    %dma_wait3A_130 = arith.constant 0 : i32
    %dma_wait3A_131 = arith.constant 0 : i32
    %dma_wait3A_132 = tpu.memref_slice %arg2[%dma_wait3A_130, %dma_wait3A_131] : memref<106496x128xf32, #tpu.memory_space<hbm>> -> memref<106496x128xf32, #tpu.memory_space<hbm>>
    tpu.wait_indirect_dma semaphore(%arg10 : memref<!tpu.dma_semaphore, #tpu.memory_space<semaphore_mem>>) src(%dma_wait3A_132 : memref<106496x128xf32, #tpu.memory_space<hbm>>) dst(%dma_wait3A_127 : memref<128x128xf32, #tpu.memory_space<vmem>>)
    "tpu.region"() ({
      %run_scoped3A = tpu.sem_alloc : memref<!tpu.dma_semaphore, #tpu.memory_space<semaphore_mem>>
      %dma_start3A_265 = arith.constant 0 : i32
      %dma_start3A_266 = tpu.memref_slice %arg5[%mul3A_2, %dma_start3A_265] : memref<16384x128xf32, #tpu.memory_space<hbm>> -> memref<512x128xf32, #tpu.memory_space<hbm>>
      %dma_start3A_267 = arith.constant 0 : i32
      %dma_start3A_268 = tpu.memref_slice %arg5[%mul3A_2, %dma_start3A_267] : memref<16384x128xf32, #tpu.memory_space<hbm>> -> memref<512x128xf32, #tpu.memory_space<hbm>>
      tpu.enqueue_dma source(%arg9 : memref<512x128xf32, #tpu.memory_space<vmem>>) target(%dma_start3A_268 : memref<512x128xf32, #tpu.memory_space<hbm>>) target_semaphore(%run_scoped3A : memref<!tpu.dma_semaphore, #tpu.memory_space<semaphore_mem>>)
      %dma_wait3A_269 = arith.constant 0 : i32
      %dma_wait3A_270 = tpu.memref_slice %arg5[%mul3A_2, %dma_wait3A_269] : memref<16384x128xf32, #tpu.memory_space<hbm>> -> memref<512x128xf32, #tpu.memory_space<hbm>>
      %dma_wait3A_271 = arith.constant 0 : i32
      %dma_wait3A_272 = tpu.memref_slice %arg5[%mul3A_2, %dma_wait3A_271] : memref<16384x128xf32, #tpu.memory_space<hbm>> -> memref<512x128xf32, #tpu.memory_space<hbm>>
      tpu.wait_dma2 semaphore(%run_scoped3A : memref<!tpu.dma_semaphore, #tpu.memory_space<semaphore_mem>>) src(%arg9 : memref<512x128xf32, #tpu.memory_space<vmem>>) dst(%dma_wait3A_272 : memref<512x128xf32, #tpu.memory_space<hbm>>)
      tpu.yield
    }) : () -> ()
    %add3A_133 = arith.constant 32768 : i32
    %add3A_134 = arith.addi %add3A_133, %mul3A_2 : i32
    "tpu.region"() ({
      %run_scoped3A = tpu.sem_alloc : memref<!tpu.dma_semaphore, #tpu.memory_space<semaphore_mem>>
      %dma_start3A_265 = tpu.memref_slice %arg3[%add3A_134] : memref<65536xi32, #tpu.memory_space<hbm>> -> memref<512xi32, #tpu.memory_space<hbm>>
      %dma_start3A_266 = tpu.memref_slice %arg3[%add3A_134] : memref<65536xi32, #tpu.memory_space<hbm>> -> memref<512xi32, #tpu.memory_space<hbm>>
      tpu.enqueue_dma source(%dma_start3A_266 : memref<512xi32, #tpu.memory_space<hbm>>) target(%arg8 : memref<512xi32, #tpu.memory_space<vmem>>) target_semaphore(%run_scoped3A : memref<!tpu.dma_semaphore, #tpu.memory_space<semaphore_mem>>)
      %dma_wait3A_267 = tpu.memref_slice %arg3[%add3A_134] : memref<65536xi32, #tpu.memory_space<hbm>> -> memref<512xi32, #tpu.memory_space<hbm>>
      %dma_wait3A_268 = tpu.memref_slice %arg3[%add3A_134] : memref<65536xi32, #tpu.memory_space<hbm>> -> memref<512xi32, #tpu.memory_space<hbm>>
      tpu.wait_dma2 semaphore(%run_scoped3A : memref<!tpu.dma_semaphore, #tpu.memory_space<semaphore_mem>>) src(%dma_wait3A_268 : memref<512xi32, #tpu.memory_space<hbm>>) dst(%arg8 : memref<512xi32, #tpu.memory_space<vmem>>)
      tpu.yield
    }) : () -> ()
    %dma_start3A_135 = arith.constant 0 : i32
    %dma_start3A_136 = arith.constant 0 : i32
    %dma_start3A_137 = tpu.memref_slice %arg9[%dma_start3A_135, %dma_start3A_136] : memref<512x128xf32, #tpu.memory_space<vmem>> -> memref<128x128xf32, #tpu.memory_space<vmem>>
    %dma_start3A_138 = arith.constant 0 : i32
    %dma_start3A_139 = tpu.memref_slice %arg8[%dma_start3A_138] : memref<512xi32, #tpu.memory_space<vmem>> -> memref<128xi32, #tpu.memory_space<vmem>>
    %dma_start3A_140 = arith.constant 0 : i32
    %dma_start3A_141 = arith.constant 0 : i32
    %dma_start3A_142 = tpu.memref_slice %arg2[%dma_start3A_140, %dma_start3A_141] : memref<106496x128xf32, #tpu.memory_space<hbm>> -> memref<106496x128xf32, #tpu.memory_space<hbm>>
    tpu.enqueue_indirect_dma source(%dma_start3A_142 : memref<106496x128xf32, #tpu.memory_space<hbm>>) target(%dma_start3A_137 : memref<128x128xf32, #tpu.memory_space<vmem>>) offsets(%dma_start3A_139 : memref<128xi32, #tpu.memory_space<vmem>>) semaphore(%arg10 : memref<!tpu.dma_semaphore, #tpu.memory_space<semaphore_mem>>)
    %dma_start3A_143 = arith.constant 128 : i32
    %dma_start3A_144 = arith.constant 0 : i32
    %dma_start3A_145 = tpu.memref_slice %arg9[%dma_start3A_143, %dma_start3A_144] : memref<512x128xf32, #tpu.memory_space<vmem>> -> memref<128x128xf32, #tpu.memory_space<vmem>>
    %dma_start3A_146 = arith.constant 128 : i32
    %dma_start3A_147 = tpu.memref_slice %arg8[%dma_start3A_146] : memref<512xi32, #tpu.memory_space<vmem>> -> memref<128xi32, #tpu.memory_space<vmem>>
    %dma_start3A_148 = arith.constant 0 : i32
    %dma_start3A_149 = arith.constant 0 : i32
    %dma_start3A_150 = tpu.memref_slice %arg2[%dma_start3A_148, %dma_start3A_149] : memref<106496x128xf32, #tpu.memory_space<hbm>> -> memref<106496x128xf32, #tpu.memory_space<hbm>>
    tpu.enqueue_indirect_dma source(%dma_start3A_150 : memref<106496x128xf32, #tpu.memory_space<hbm>>) target(%dma_start3A_145 : memref<128x128xf32, #tpu.memory_space<vmem>>) offsets(%dma_start3A_147 : memref<128xi32, #tpu.memory_space<vmem>>) semaphore(%arg10 : memref<!tpu.dma_semaphore, #tpu.memory_space<semaphore_mem>>)
    %dma_start3A_151 = arith.constant 256 : i32
    %dma_start3A_152 = arith.constant 0 : i32
    %dma_start3A_153 = tpu.memref_slice %arg9[%dma_start3A_151, %dma_start3A_152] : memref<512x128xf32, #tpu.memory_space<vmem>> -> memref<128x128xf32, #tpu.memory_space<vmem>>
    %dma_start3A_154 = arith.constant 256 : i32
    %dma_start3A_155 = tpu.memref_slice %arg8[%dma_start3A_154] : memref<512xi32, #tpu.memory_space<vmem>> -> memref<128xi32, #tpu.memory_space<vmem>>
    %dma_start3A_156 = arith.constant 0 : i32
    %dma_start3A_157 = arith.constant 0 : i32
    %dma_start3A_158 = tpu.memref_slice %arg2[%dma_start3A_156, %dma_start3A_157] : memref<106496x128xf32, #tpu.memory_space<hbm>> -> memref<106496x128xf32, #tpu.memory_space<hbm>>
    tpu.enqueue_indirect_dma source(%dma_start3A_158 : memref<106496x128xf32, #tpu.memory_space<hbm>>) target(%dma_start3A_153 : memref<128x128xf32, #tpu.memory_space<vmem>>) offsets(%dma_start3A_155 : memref<128xi32, #tpu.memory_space<vmem>>) semaphore(%arg10 : memref<!tpu.dma_semaphore, #tpu.memory_space<semaphore_mem>>)
    %dma_start3A_159 = arith.constant 384 : i32
    %dma_start3A_160 = arith.constant 0 : i32
    %dma_start3A_161 = tpu.memref_slice %arg9[%dma_start3A_159, %dma_start3A_160] : memref<512x128xf32, #tpu.memory_space<vmem>> -> memref<128x128xf32, #tpu.memory_space<vmem>>
    %dma_start3A_162 = arith.constant 384 : i32
    %dma_start3A_163 = tpu.memref_slice %arg8[%dma_start3A_162] : memref<512xi32, #tpu.memory_space<vmem>> -> memref<128xi32, #tpu.memory_space<vmem>>
    %dma_start3A_164 = arith.constant 0 : i32
    %dma_start3A_165 = arith.constant 0 : i32
    %dma_start3A_166 = tpu.memref_slice %arg2[%dma_start3A_164, %dma_start3A_165] : memref<106496x128xf32, #tpu.memory_space<hbm>> -> memref<106496x128xf32, #tpu.memory_space<hbm>>
    tpu.enqueue_indirect_dma source(%dma_start3A_166 : memref<106496x128xf32, #tpu.memory_space<hbm>>) target(%dma_start3A_161 : memref<128x128xf32, #tpu.memory_space<vmem>>) offsets(%dma_start3A_163 : memref<128xi32, #tpu.memory_space<vmem>>) semaphore(%arg10 : memref<!tpu.dma_semaphore, #tpu.memory_space<semaphore_mem>>)
    %dma_wait3A_167 = arith.constant 0 : i32
    %dma_wait3A_168 = arith.constant 0 : i32
    %dma_wait3A_169 = tpu.memref_slice %arg9[%dma_wait3A_167, %dma_wait3A_168] : memref<512x128xf32, #tpu.memory_space<vmem>> -> memref<128x128xf32, #tpu.memory_space<vmem>>
    %dma_wait3A_170 = arith.constant 0 : i32
    %dma_wait3A_171 = tpu.memref_slice %arg8[%dma_wait3A_170] : memref<512xi32, #tpu.memory_space<vmem>> -> memref<128xi32, #tpu.memory_space<vmem>>
    %dma_wait3A_172 = arith.constant 0 : i32
    %dma_wait3A_173 = arith.constant 0 : i32
    %dma_wait3A_174 = tpu.memref_slice %arg2[%dma_wait3A_172, %dma_wait3A_173] : memref<106496x128xf32, #tpu.memory_space<hbm>> -> memref<106496x128xf32, #tpu.memory_space<hbm>>
    tpu.wait_indirect_dma semaphore(%arg10 : memref<!tpu.dma_semaphore, #tpu.memory_space<semaphore_mem>>) src(%dma_wait3A_174 : memref<106496x128xf32, #tpu.memory_space<hbm>>) dst(%dma_wait3A_169 : memref<128x128xf32, #tpu.memory_space<vmem>>)
    %dma_wait3A_175 = arith.constant 128 : i32
    %dma_wait3A_176 = arith.constant 0 : i32
    %dma_wait3A_177 = tpu.memref_slice %arg9[%dma_wait3A_175, %dma_wait3A_176] : memref<512x128xf32, #tpu.memory_space<vmem>> -> memref<128x128xf32, #tpu.memory_space<vmem>>
    %dma_wait3A_178 = arith.constant 128 : i32
    %dma_wait3A_179 = tpu.memref_slice %arg8[%dma_wait3A_178] : memref<512xi32, #tpu.memory_space<vmem>> -> memref<128xi32, #tpu.memory_space<vmem>>
    %dma_wait3A_180 = arith.constant 0 : i32
    %dma_wait3A_181 = arith.constant 0 : i32
    %dma_wait3A_182 = tpu.memref_slice %arg2[%dma_wait3A_180, %dma_wait3A_181] : memref<106496x128xf32, #tpu.memory_space<hbm>> -> memref<106496x128xf32, #tpu.memory_space<hbm>>
    tpu.wait_indirect_dma semaphore(%arg10 : memref<!tpu.dma_semaphore, #tpu.memory_space<semaphore_mem>>) src(%dma_wait3A_182 : memref<106496x128xf32, #tpu.memory_space<hbm>>) dst(%dma_wait3A_177 : memref<128x128xf32, #tpu.memory_space<vmem>>)
    %dma_wait3A_183 = arith.constant 256 : i32
    %dma_wait3A_184 = arith.constant 0 : i32
    %dma_wait3A_185 = tpu.memref_slice %arg9[%dma_wait3A_183, %dma_wait3A_184] : memref<512x128xf32, #tpu.memory_space<vmem>> -> memref<128x128xf32, #tpu.memory_space<vmem>>
    %dma_wait3A_186 = arith.constant 256 : i32
    %dma_wait3A_187 = tpu.memref_slice %arg8[%dma_wait3A_186] : memref<512xi32, #tpu.memory_space<vmem>> -> memref<128xi32, #tpu.memory_space<vmem>>
    %dma_wait3A_188 = arith.constant 0 : i32
    %dma_wait3A_189 = arith.constant 0 : i32
    %dma_wait3A_190 = tpu.memref_slice %arg2[%dma_wait3A_188, %dma_wait3A_189] : memref<106496x128xf32, #tpu.memory_space<hbm>> -> memref<106496x128xf32, #tpu.memory_space<hbm>>
    tpu.wait_indirect_dma semaphore(%arg10 : memref<!tpu.dma_semaphore, #tpu.memory_space<semaphore_mem>>) src(%dma_wait3A_190 : memref<106496x128xf32, #tpu.memory_space<hbm>>) dst(%dma_wait3A_185 : memref<128x128xf32, #tpu.memory_space<vmem>>)
    %dma_wait3A_191 = arith.constant 384 : i32
    %dma_wait3A_192 = arith.constant 0 : i32
    %dma_wait3A_193 = tpu.memref_slice %arg9[%dma_wait3A_191, %dma_wait3A_192] : memref<512x128xf32, #tpu.memory_space<vmem>> -> memref<128x128xf32, #tpu.memory_space<vmem>>
    %dma_wait3A_194 = arith.constant 384 : i32
    %dma_wait3A_195 = tpu.memref_slice %arg8[%dma_wait3A_194] : memref<512xi32, #tpu.memory_space<vmem>> -> memref<128xi32, #tpu.memory_space<vmem>>
    %dma_wait3A_196 = arith.constant 0 : i32
    %dma_wait3A_197 = arith.constant 0 : i32
    %dma_wait3A_198 = tpu.memref_slice %arg2[%dma_wait3A_196, %dma_wait3A_197] : memref<106496x128xf32, #tpu.memory_space<hbm>> -> memref<106496x128xf32, #tpu.memory_space<hbm>>
    tpu.wait_indirect_dma semaphore(%arg10 : memref<!tpu.dma_semaphore, #tpu.memory_space<semaphore_mem>>) src(%dma_wait3A_198 : memref<106496x128xf32, #tpu.memory_space<hbm>>) dst(%dma_wait3A_193 : memref<128x128xf32, #tpu.memory_space<vmem>>)
    "tpu.region"() ({
      %run_scoped3A = tpu.sem_alloc : memref<!tpu.dma_semaphore, #tpu.memory_space<semaphore_mem>>
      %dma_start3A_265 = arith.constant 0 : i32
      %dma_start3A_266 = tpu.memref_slice %arg6[%mul3A_2, %dma_start3A_265] : memref<16384x128xf32, #tpu.memory_space<hbm>> -> memref<512x128xf32, #tpu.memory_space<hbm>>
      %dma_start3A_267 = arith.constant 0 : i32
      %dma_start3A_268 = tpu.memref_slice %arg6[%mul3A_2, %dma_start3A_267] : memref<16384x128xf32, #tpu.memory_space<hbm>> -> memref<512x128xf32, #tpu.memory_space<hbm>>
      tpu.enqueue_dma source(%arg9 : memref<512x128xf32, #tpu.memory_space<vmem>>) target(%dma_start3A_268 : memref<512x128xf32, #tpu.memory_space<hbm>>) target_semaphore(%run_scoped3A : memref<!tpu.dma_semaphore, #tpu.memory_space<semaphore_mem>>)
      %dma_wait3A_269 = arith.constant 0 : i32
      %dma_wait3A_270 = tpu.memref_slice %arg6[%mul3A_2, %dma_wait3A_269] : memref<16384x128xf32, #tpu.memory_space<hbm>> -> memref<512x128xf32, #tpu.memory_space<hbm>>
      %dma_wait3A_271 = arith.constant 0 : i32
      %dma_wait3A_272 = tpu.memref_slice %arg6[%mul3A_2, %dma_wait3A_271] : memref<16384x128xf32, #tpu.memory_space<hbm>> -> memref<512x128xf32, #tpu.memory_space<hbm>>
      tpu.wait_dma2 semaphore(%run_scoped3A : memref<!tpu.dma_semaphore, #tpu.memory_space<semaphore_mem>>) src(%arg9 : memref<512x128xf32, #tpu.memory_space<vmem>>) dst(%dma_wait3A_272 : memref<512x128xf32, #tpu.memory_space<hbm>>)
      tpu.yield
    }) : () -> ()
    %add3A_199 = arith.constant 49152 : i32
    %add3A_200 = arith.addi %add3A_199, %mul3A_2 : i32
    "tpu.region"() ({
      %run_scoped3A = tpu.sem_alloc : memref<!tpu.dma_semaphore, #tpu.memory_space<semaphore_mem>>
      %dma_start3A_265 = tpu.memref_slice %arg3[%add3A_200] : memref<65536xi32, #tpu.memory_space<hbm>> -> memref<512xi32, #tpu.memory_space<hbm>>
      %dma_start3A_266 = tpu.memref_slice %arg3[%add3A_200] : memref<65536xi32, #tpu.memory_space<hbm>> -> memref<512xi32, #tpu.memory_space<hbm>>
      tpu.enqueue_dma source(%dma_start3A_266 : memref<512xi32, #tpu.memory_space<hbm>>) target(%arg8 : memref<512xi32, #tpu.memory_space<vmem>>) target_semaphore(%run_scoped3A : memref<!tpu.dma_semaphore, #tpu.memory_space<semaphore_mem>>)
      %dma_wait3A_267 = tpu.memref_slice %arg3[%add3A_200] : memref<65536xi32, #tpu.memory_space<hbm>> -> memref<512xi32, #tpu.memory_space<hbm>>
      %dma_wait3A_268 = tpu.memref_slice %arg3[%add3A_200] : memref<65536xi32, #tpu.memory_space<hbm>> -> memref<512xi32, #tpu.memory_space<hbm>>
      tpu.wait_dma2 semaphore(%run_scoped3A : memref<!tpu.dma_semaphore, #tpu.memory_space<semaphore_mem>>) src(%dma_wait3A_268 : memref<512xi32, #tpu.memory_space<hbm>>) dst(%arg8 : memref<512xi32, #tpu.memory_space<vmem>>)
      tpu.yield
    }) : () -> ()
    %dma_start3A_201 = arith.constant 0 : i32
    %dma_start3A_202 = arith.constant 0 : i32
    %dma_start3A_203 = tpu.memref_slice %arg9[%dma_start3A_201, %dma_start3A_202] : memref<512x128xf32, #tpu.memory_space<vmem>> -> memref<128x128xf32, #tpu.memory_space<vmem>>
    %dma_start3A_204 = arith.constant 0 : i32
    %dma_start3A_205 = tpu.memref_slice %arg8[%dma_start3A_204] : memref<512xi32, #tpu.memory_space<vmem>> -> memref<128xi32, #tpu.memory_space<vmem>>
    %dma_start3A_206 = arith.constant 0 : i32
    %dma_start3A_207 = arith.constant 0 : i32
    %dma_start3A_208 = tpu.memref_slice %arg2[%dma_start3A_206, %dma_start3A_207] : memref<106496x128xf32, #tpu.memory_space<hbm>> -> memref<106496x128xf32, #tpu.memory_space<hbm>>
    tpu.enqueue_indirect_dma source(%dma_start3A_208 : memref<106496x128xf32, #tpu.memory_space<hbm>>) target(%dma_start3A_203 : memref<128x128xf32, #tpu.memory_space<vmem>>) offsets(%dma_start3A_205 : memref<128xi32, #tpu.memory_space<vmem>>) semaphore(%arg10 : memref<!tpu.dma_semaphore, #tpu.memory_space<semaphore_mem>>)
    %dma_start3A_209 = arith.constant 128 : i32
    %dma_start3A_210 = arith.constant 0 : i32
    %dma_start3A_211 = tpu.memref_slice %arg9[%dma_start3A_209, %dma_start3A_210] : memref<512x128xf32, #tpu.memory_space<vmem>> -> memref<128x128xf32, #tpu.memory_space<vmem>>
    %dma_start3A_212 = arith.constant 128 : i32
    %dma_start3A_213 = tpu.memref_slice %arg8[%dma_start3A_212] : memref<512xi32, #tpu.memory_space<vmem>> -> memref<128xi32, #tpu.memory_space<vmem>>
    %dma_start3A_214 = arith.constant 0 : i32
    %dma_start3A_215 = arith.constant 0 : i32
    %dma_start3A_216 = tpu.memref_slice %arg2[%dma_start3A_214, %dma_start3A_215] : memref<106496x128xf32, #tpu.memory_space<hbm>> -> memref<106496x128xf32, #tpu.memory_space<hbm>>
    tpu.enqueue_indirect_dma source(%dma_start3A_216 : memref<106496x128xf32, #tpu.memory_space<hbm>>) target(%dma_start3A_211 : memref<128x128xf32, #tpu.memory_space<vmem>>) offsets(%dma_start3A_213 : memref<128xi32, #tpu.memory_space<vmem>>) semaphore(%arg10 : memref<!tpu.dma_semaphore, #tpu.memory_space<semaphore_mem>>)
    %dma_start3A_217 = arith.constant 256 : i32
    %dma_start3A_218 = arith.constant 0 : i32
    %dma_start3A_219 = tpu.memref_slice %arg9[%dma_start3A_217, %dma_start3A_218] : memref<512x128xf32, #tpu.memory_space<vmem>> -> memref<128x128xf32, #tpu.memory_space<vmem>>
    %dma_start3A_220 = arith.constant 256 : i32
    %dma_start3A_221 = tpu.memref_slice %arg8[%dma_start3A_220] : memref<512xi32, #tpu.memory_space<vmem>> -> memref<128xi32, #tpu.memory_space<vmem>>
    %dma_start3A_222 = arith.constant 0 : i32
    %dma_start3A_223 = arith.constant 0 : i32
    %dma_start3A_224 = tpu.memref_slice %arg2[%dma_start3A_222, %dma_start3A_223] : memref<106496x128xf32, #tpu.memory_space<hbm>> -> memref<106496x128xf32, #tpu.memory_space<hbm>>
    tpu.enqueue_indirect_dma source(%dma_start3A_224 : memref<106496x128xf32, #tpu.memory_space<hbm>>) target(%dma_start3A_219 : memref<128x128xf32, #tpu.memory_space<vmem>>) offsets(%dma_start3A_221 : memref<128xi32, #tpu.memory_space<vmem>>) semaphore(%arg10 : memref<!tpu.dma_semaphore, #tpu.memory_space<semaphore_mem>>)
    %dma_start3A_225 = arith.constant 384 : i32
    %dma_start3A_226 = arith.constant 0 : i32
    %dma_start3A_227 = tpu.memref_slice %arg9[%dma_start3A_225, %dma_start3A_226] : memref<512x128xf32, #tpu.memory_space<vmem>> -> memref<128x128xf32, #tpu.memory_space<vmem>>
    %dma_start3A_228 = arith.constant 384 : i32
    %dma_start3A_229 = tpu.memref_slice %arg8[%dma_start3A_228] : memref<512xi32, #tpu.memory_space<vmem>> -> memref<128xi32, #tpu.memory_space<vmem>>
    %dma_start3A_230 = arith.constant 0 : i32
    %dma_start3A_231 = arith.constant 0 : i32
    %dma_start3A_232 = tpu.memref_slice %arg2[%dma_start3A_230, %dma_start3A_231] : memref<106496x128xf32, #tpu.memory_space<hbm>> -> memref<106496x128xf32, #tpu.memory_space<hbm>>
    tpu.enqueue_indirect_dma source(%dma_start3A_232 : memref<106496x128xf32, #tpu.memory_space<hbm>>) target(%dma_start3A_227 : memref<128x128xf32, #tpu.memory_space<vmem>>) offsets(%dma_start3A_229 : memref<128xi32, #tpu.memory_space<vmem>>) semaphore(%arg10 : memref<!tpu.dma_semaphore, #tpu.memory_space<semaphore_mem>>)
    %dma_wait3A_233 = arith.constant 0 : i32
    %dma_wait3A_234 = arith.constant 0 : i32
    %dma_wait3A_235 = tpu.memref_slice %arg9[%dma_wait3A_233, %dma_wait3A_234] : memref<512x128xf32, #tpu.memory_space<vmem>> -> memref<128x128xf32, #tpu.memory_space<vmem>>
    %dma_wait3A_236 = arith.constant 0 : i32
    %dma_wait3A_237 = tpu.memref_slice %arg8[%dma_wait3A_236] : memref<512xi32, #tpu.memory_space<vmem>> -> memref<128xi32, #tpu.memory_space<vmem>>
    %dma_wait3A_238 = arith.constant 0 : i32
    %dma_wait3A_239 = arith.constant 0 : i32
    %dma_wait3A_240 = tpu.memref_slice %arg2[%dma_wait3A_238, %dma_wait3A_239] : memref<106496x128xf32, #tpu.memory_space<hbm>> -> memref<106496x128xf32, #tpu.memory_space<hbm>>
    tpu.wait_indirect_dma semaphore(%arg10 : memref<!tpu.dma_semaphore, #tpu.memory_space<semaphore_mem>>) src(%dma_wait3A_240 : memref<106496x128xf32, #tpu.memory_space<hbm>>) dst(%dma_wait3A_235 : memref<128x128xf32, #tpu.memory_space<vmem>>)
    %dma_wait3A_241 = arith.constant 128 : i32
    %dma_wait3A_242 = arith.constant 0 : i32
    %dma_wait3A_243 = tpu.memref_slice %arg9[%dma_wait3A_241, %dma_wait3A_242] : memref<512x128xf32, #tpu.memory_space<vmem>> -> memref<128x128xf32, #tpu.memory_space<vmem>>
    %dma_wait3A_244 = arith.constant 128 : i32
    %dma_wait3A_245 = tpu.memref_slice %arg8[%dma_wait3A_244] : memref<512xi32, #tpu.memory_space<vmem>> -> memref<128xi32, #tpu.memory_space<vmem>>
    %dma_wait3A_246 = arith.constant 0 : i32
    %dma_wait3A_247 = arith.constant 0 : i32
    %dma_wait3A_248 = tpu.memref_slice %arg2[%dma_wait3A_246, %dma_wait3A_247] : memref<106496x128xf32, #tpu.memory_space<hbm>> -> memref<106496x128xf32, #tpu.memory_space<hbm>>
    tpu.wait_indirect_dma semaphore(%arg10 : memref<!tpu.dma_semaphore, #tpu.memory_space<semaphore_mem>>) src(%dma_wait3A_248 : memref<106496x128xf32, #tpu.memory_space<hbm>>) dst(%dma_wait3A_243 : memref<128x128xf32, #tpu.memory_space<vmem>>)
    %dma_wait3A_249 = arith.constant 256 : i32
    %dma_wait3A_250 = arith.constant 0 : i32
    %dma_wait3A_251 = tpu.memref_slice %arg9[%dma_wait3A_249, %dma_wait3A_250] : memref<512x128xf32, #tpu.memory_space<vmem>> -> memref<128x128xf32, #tpu.memory_space<vmem>>
    %dma_wait3A_252 = arith.constant 256 : i32
    %dma_wait3A_253 = tpu.memref_slice %arg8[%dma_wait3A_252] : memref<512xi32, #tpu.memory_space<vmem>> -> memref<128xi32, #tpu.memory_space<vmem>>
    %dma_wait3A_254 = arith.constant 0 : i32
    %dma_wait3A_255 = arith.constant 0 : i32
    %dma_wait3A_256 = tpu.memref_slice %arg2[%dma_wait3A_254, %dma_wait3A_255] : memref<106496x128xf32, #tpu.memory_space<hbm>> -> memref<106496x128xf32, #tpu.memory_space<hbm>>
    tpu.wait_indirect_dma semaphore(%arg10 : memref<!tpu.dma_semaphore, #tpu.memory_space<semaphore_mem>>) src(%dma_wait3A_256 : memref<106496x128xf32, #tpu.memory_space<hbm>>) dst(%dma_wait3A_251 : memref<128x128xf32, #tpu.memory_space<vmem>>)
    %dma_wait3A_257 = arith.constant 384 : i32
    %dma_wait3A_258 = arith.constant 0 : i32
    %dma_wait3A_259 = tpu.memref_slice %arg9[%dma_wait3A_257, %dma_wait3A_258] : memref<512x128xf32, #tpu.memory_space<vmem>> -> memref<128x128xf32, #tpu.memory_space<vmem>>
    %dma_wait3A_260 = arith.constant 384 : i32
    %dma_wait3A_261 = tpu.memref_slice %arg8[%dma_wait3A_260] : memref<512xi32, #tpu.memory_space<vmem>> -> memref<128xi32, #tpu.memory_space<vmem>>
    %dma_wait3A_262 = arith.constant 0 : i32
    %dma_wait3A_263 = arith.constant 0 : i32
    %dma_wait3A_264 = tpu.memref_slice %arg2[%dma_wait3A_262, %dma_wait3A_263] : memref<106496x128xf32, #tpu.memory_space<hbm>> -> memref<106496x128xf32, #tpu.memory_space<hbm>>
    tpu.wait_indirect_dma semaphore(%arg10 : memref<!tpu.dma_semaphore, #tpu.memory_space<semaphore_mem>>) src(%dma_wait3A_264 : memref<106496x128xf32, #tpu.memory_space<hbm>>) dst(%dma_wait3A_259 : memref<128x128xf32, #tpu.memory_space<vmem>>)
    "tpu.region"() ({
      %run_scoped3A = tpu.sem_alloc : memref<!tpu.dma_semaphore, #tpu.memory_space<semaphore_mem>>
      %dma_start3A_265 = arith.constant 0 : i32
      %dma_start3A_266 = tpu.memref_slice %arg7[%mul3A_2, %dma_start3A_265] : memref<16384x128xf32, #tpu.memory_space<hbm>> -> memref<512x128xf32, #tpu.memory_space<hbm>>
      %dma_start3A_267 = arith.constant 0 : i32
      %dma_start3A_268 = tpu.memref_slice %arg7[%mul3A_2, %dma_start3A_267] : memref<16384x128xf32, #tpu.memory_space<hbm>> -> memref<512x128xf32, #tpu.memory_space<hbm>>
      tpu.enqueue_dma source(%arg9 : memref<512x128xf32, #tpu.memory_space<vmem>>) target(%dma_start3A_268 : memref<512x128xf32, #tpu.memory_space<hbm>>) target_semaphore(%run_scoped3A : memref<!tpu.dma_semaphore, #tpu.memory_space<semaphore_mem>>)
      %dma_wait3A_269 = arith.constant 0 : i32
      %dma_wait3A_270 = tpu.memref_slice %arg7[%mul3A_2, %dma_wait3A_269] : memref<16384x128xf32, #tpu.memory_space<hbm>> -> memref<512x128xf32, #tpu.memory_space<hbm>>
      %dma_wait3A_271 = arith.constant 0 : i32
      %dma_wait3A_272 = tpu.memref_slice %arg7[%mul3A_2, %dma_wait3A_271] : memref<16384x128xf32, #tpu.memory_space<hbm>> -> memref<512x128xf32, #tpu.memory_space<hbm>>
      tpu.wait_dma2 semaphore(%run_scoped3A : memref<!tpu.dma_semaphore, #tpu.memory_space<semaphore_mem>>) src(%arg9 : memref<512x128xf32, #tpu.memory_space<vmem>>) dst(%dma_wait3A_272 : memref<512x128xf32, #tpu.memory_space<hbm>>)
      tpu.yield
    }) : () -> ()
    return
  }
}

module attributes {stable_mosaic.version = 14 : i64} {
  func.func @_tpack_body(%arg0: i32, %arg1: i32, %arg2: memref<1x32x2048xf32, #tpu.memory_space<vmem>>, %arg3: memref<1x32x2048xf32, #tpu.memory_space<vmem>>, %arg4: memref<1x32x2048xf32, #tpu.memory_space<vmem>>, %arg5: memref<1x32x2048xf32, #tpu.memory_space<vmem>>, %arg6: memref<2048x128xf32, #tpu.memory_space<vmem>>) attributes {dimension_semantics = [#tpu.dimension_semantics<arbitrary>, #tpu.dimension_semantics<arbitrary>], iteration_bounds = array<i64: 4, 13>, scalar_prefetch = 0 : i64, scratch_operands = 0 : i64, tpu.core_type = #tpu.core_type<tc>, window_params = [{transform_indices = @transform_0, window_bounds = array<i64: 1, 32, 2048>}, {transform_indices = @transform_1, window_bounds = array<i64: 1, 32, 2048>}, {transform_indices = @transform_2, window_bounds = array<i64: 1, 32, 2048>}, {transform_indices = @transform_3, window_bounds = array<i64: 1, 32, 2048>}, {transform_indices = @transform_4, window_bounds = array<i64: 2048, 128>}]} {
    %iota3A = tpu.iota {dimensions = array<i32: 0>} : vector<128x128xi32>
    %iota3A_0 = tpu.iota {dimensions = array<i32: 1>} : vector<128x128xi32>
    %eq3A = arith.cmpi eq, %iota3A, %iota3A_0 : vector<128x128xi32>
    %convert_element_type3A = arith.extui %eq3A : vector<128x128xi1> to vector<128x128xi32>
    %convert_element_type3A_1 = arith.sitofp %convert_element_type3A : vector<128x128xi32> to vector<128x128xf32>
    %get3A = arith.constant 0 : index
    %get3A_2 = arith.constant 0 : index
    %get3A_3 = arith.constant 0 : index
    %get3A_4 = vector.load %arg2[%get3A, %get3A_2, %get3A_3] : memref<1x32x2048xf32, #tpu.memory_space<vmem>>, vector<1x32x2048xf32>
    %get3A_5 = vector.shape_cast %get3A_4 : vector<1x32x2048xf32> to vector<32x2048xf32>
    %get3A_6 = arith.constant 0 : index
    %get3A_7 = arith.constant 0 : index
    %get3A_8 = arith.constant 0 : index
    %get3A_9 = vector.load %arg3[%get3A_6, %get3A_7, %get3A_8] : memref<1x32x2048xf32, #tpu.memory_space<vmem>>, vector<1x32x2048xf32>
    %get3A_10 = vector.shape_cast %get3A_9 : vector<1x32x2048xf32> to vector<32x2048xf32>
    %get3A_11 = arith.constant 0 : index
    %get3A_12 = arith.constant 0 : index
    %get3A_13 = arith.constant 0 : index
    %get3A_14 = vector.load %arg4[%get3A_11, %get3A_12, %get3A_13] : memref<1x32x2048xf32, #tpu.memory_space<vmem>>, vector<1x32x2048xf32>
    %get3A_15 = vector.shape_cast %get3A_14 : vector<1x32x2048xf32> to vector<32x2048xf32>
    %get3A_16 = arith.constant 0 : index
    %get3A_17 = arith.constant 0 : index
    %get3A_18 = arith.constant 0 : index
    %get3A_19 = vector.load %arg5[%get3A_16, %get3A_17, %get3A_18] : memref<1x32x2048xf32, #tpu.memory_space<vmem>>, vector<1x32x2048xf32>
    %get3A_20 = vector.shape_cast %get3A_19 : vector<1x32x2048xf32> to vector<32x2048xf32>
    %concatenate3A = tpu.concatenate %get3A_5, %get3A_10, %get3A_15, %get3A_20 in 0 : vector<32x2048xf32>, vector<32x2048xf32>, vector<32x2048xf32>, vector<32x2048xf32> -> vector<128x2048xf32>
    %dot_general3A = arith.constant dense<0.000000e+00> : vector<2048x128xf32>
    %dot_general3A_21 = tpu.matmul %concatenate3A, %convert_element_type3A_1, %dot_general3A {dimension_numbers = #tpu.dot_dimension_numbers<[0], [0], [1], [1], [0, 1, 1, 1], [], []>, transpose_lhs_hint = false} : vector<128x2048xf32>, vector<128x128xf32>, vector<2048x128xf32> -> vector<2048x128xf32>
    %swap3A = arith.constant 0 : index
    %swap3A_22 = arith.constant 0 : index
    %swap3A_23 = vector.load %arg6[%swap3A, %swap3A_22] : memref<2048x128xf32, #tpu.memory_space<vmem>>, vector<2048x128xf32>
    tpu.vector_store %arg6[%swap3A, %swap3A_22], %dot_general3A_21 {strides = array<i32>} : memref<2048x128xf32, #tpu.memory_space<vmem>>, vector<2048x128xf32>,
    return
  }
  func.func @transform_0(%arg0: i32, %arg1: i32) -> (i32, i32, i32) {
    %add3A = arith.constant 0 : i32
    %add3A_0 = arith.addi %add3A, %arg1 : i32
    %min3A = arith.constant 48 : i32
    %min3A_1 = arith.minsi %add3A_0, %min3A : i32
    %c0_i32 = arith.constant 0 : i32
    %c0_i32_2 = arith.constant 0 : i32
    return %arg0, %c0_i32, %min3A_1 : i32, i32, i32
  }
  func.func @transform_1(%arg0: i32, %arg1: i32) -> (i32, i32, i32) {
    %add3A = arith.constant 13 : i32
    %add3A_0 = arith.addi %add3A, %arg1 : i32
    %min3A = arith.constant 48 : i32
    %min3A_1 = arith.minsi %add3A_0, %min3A : i32
    %c0_i32 = arith.constant 0 : i32
    %c0_i32_2 = arith.constant 0 : i32
    return %arg0, %c0_i32, %min3A_1 : i32, i32, i32
  }
  func.func @transform_2(%arg0: i32, %arg1: i32) -> (i32, i32, i32) {
    %add3A = arith.constant 26 : i32
    %add3A_0 = arith.addi %add3A, %arg1 : i32
    %min3A = arith.constant 48 : i32
    %min3A_1 = arith.minsi %add3A_0, %min3A : i32
    %c0_i32 = arith.constant 0 : i32
    %c0_i32_2 = arith.constant 0 : i32
    return %arg0, %c0_i32, %min3A_1 : i32, i32, i32
  }
  func.func @transform_3(%arg0: i32, %arg1: i32) -> (i32, i32, i32) {
    %add3A = arith.constant 39 : i32
    %add3A_0 = arith.addi %add3A, %arg1 : i32
    %min3A = arith.constant 48 : i32
    %min3A_1 = arith.minsi %add3A_0, %min3A : i32
    %c0_i32 = arith.constant 0 : i32
    %c0_i32_2 = arith.constant 0 : i32
    return %arg0, %c0_i32, %min3A_1 : i32, i32, i32
  }
  func.func @transform_4(%arg0: i32, %arg1: i32) -> (i32, i32) {
    %mul3A = arith.constant 13 : i32
    %mul3A_0 = arith.muli %arg0, %mul3A : i32
    %add3A = arith.addi %mul3A_0, %arg1 : i32
    %c0_i32 = arith.constant 0 : i32
    %c0_i32_1 = arith.constant 0 : i32
    return %add3A, %c0_i32 : i32, i32
  }
}

module attributes {stable_mosaic.version = 14 : i64} {
  func.func @_tpack_body(%arg0: i32, %arg1: i32, %arg2: memref<1x32x2048xf32, #tpu.memory_space<vmem>>, %arg3: memref<1x32x2048xf32, #tpu.memory_space<vmem>>, %arg4: memref<1x32x2048xf32, #tpu.memory_space<vmem>>, %arg5: memref<1x32x2048xf32, #tpu.memory_space<vmem>>, %arg6: memref<2048x128xf32, #tpu.memory_space<vmem>>) attributes {dimension_semantics = [#tpu.dimension_semantics<arbitrary>, #tpu.dimension_semantics<arbitrary>], iteration_bounds = array<i64: 3, 13>, scalar_prefetch = 0 : i64, scratch_operands = 0 : i64, tpu.core_type = #tpu.core_type<tc>, window_params = [{transform_indices = @transform_0, window_bounds = array<i64: 1, 32, 2048>}, {transform_indices = @transform_1, window_bounds = array<i64: 1, 32, 2048>}, {transform_indices = @transform_2, window_bounds = array<i64: 1, 32, 2048>}, {transform_indices = @transform_3, window_bounds = array<i64: 1, 32, 2048>}, {transform_indices = @transform_4, window_bounds = array<i64: 2048, 128>}]} {
    %iota3A = tpu.iota {dimensions = array<i32: 0>} : vector<128x128xi32>
    %iota3A_0 = tpu.iota {dimensions = array<i32: 1>} : vector<128x128xi32>
    %eq3A = arith.cmpi eq, %iota3A, %iota3A_0 : vector<128x128xi32>
    %convert_element_type3A = arith.extui %eq3A : vector<128x128xi1> to vector<128x128xi32>
    %convert_element_type3A_1 = arith.sitofp %convert_element_type3A : vector<128x128xi32> to vector<128x128xf32>
    %get3A = arith.constant 0 : index
    %get3A_2 = arith.constant 0 : index
    %get3A_3 = arith.constant 0 : index
    %get3A_4 = vector.load %arg2[%get3A, %get3A_2, %get3A_3] : memref<1x32x2048xf32, #tpu.memory_space<vmem>>, vector<1x32x2048xf32>
    %get3A_5 = vector.shape_cast %get3A_4 : vector<1x32x2048xf32> to vector<32x2048xf32>
    %get3A_6 = arith.constant 0 : index
    %get3A_7 = arith.constant 0 : index
    %get3A_8 = arith.constant 0 : index
    %get3A_9 = vector.load %arg3[%get3A_6, %get3A_7, %get3A_8] : memref<1x32x2048xf32, #tpu.memory_space<vmem>>, vector<1x32x2048xf32>
    %get3A_10 = vector.shape_cast %get3A_9 : vector<1x32x2048xf32> to vector<32x2048xf32>
    %get3A_11 = arith.constant 0 : index
    %get3A_12 = arith.constant 0 : index
    %get3A_13 = arith.constant 0 : index
    %get3A_14 = vector.load %arg4[%get3A_11, %get3A_12, %get3A_13] : memref<1x32x2048xf32, #tpu.memory_space<vmem>>, vector<1x32x2048xf32>
    %get3A_15 = vector.shape_cast %get3A_14 : vector<1x32x2048xf32> to vector<32x2048xf32>
    %get3A_16 = arith.constant 0 : index
    %get3A_17 = arith.constant 0 : index
    %get3A_18 = arith.constant 0 : index
    %get3A_19 = vector.load %arg5[%get3A_16, %get3A_17, %get3A_18] : memref<1x32x2048xf32, #tpu.memory_space<vmem>>, vector<1x32x2048xf32>
    %get3A_20 = vector.shape_cast %get3A_19 : vector<1x32x2048xf32> to vector<32x2048xf32>
    %concatenate3A = tpu.concatenate %get3A_5, %get3A_10, %get3A_15, %get3A_20 in 0 : vector<32x2048xf32>, vector<32x2048xf32>, vector<32x2048xf32>, vector<32x2048xf32> -> vector<128x2048xf32>
    %dot_general3A = arith.constant dense<0.000000e+00> : vector<2048x128xf32>
    %dot_general3A_21 = tpu.matmul %concatenate3A, %convert_element_type3A_1, %dot_general3A {dimension_numbers = #tpu.dot_dimension_numbers<[0], [0], [1], [1], [0, 1, 1, 1], [], []>, transpose_lhs_hint = false} : vector<128x2048xf32>, vector<128x128xf32>, vector<2048x128xf32> -> vector<2048x128xf32>
    %swap3A = arith.constant 0 : index
    %swap3A_22 = arith.constant 0 : index
    %swap3A_23 = vector.load %arg6[%swap3A, %swap3A_22] : memref<2048x128xf32, #tpu.memory_space<vmem>>, vector<2048x128xf32>
    tpu.vector_store %arg6[%swap3A, %swap3A_22], %dot_general3A_21 {strides = array<i32>} : memref<2048x128xf32, #tpu.memory_space<vmem>>, vector<2048x128xf32>,
    return
  }
  func.func @transform_0(%arg0: i32, %arg1: i32) -> (i32, i32, i32) {
    %add3A = arith.constant 0 : i32
    %add3A_0 = arith.addi %add3A, %arg1 : i32
    %min3A = arith.constant 48 : i32
    %min3A_1 = arith.minsi %add3A_0, %min3A : i32
    %c0_i32 = arith.constant 0 : i32
    %c0_i32_2 = arith.constant 0 : i32
    return %arg0, %c0_i32, %min3A_1 : i32, i32, i32
  }
  func.func @transform_1(%arg0: i32, %arg1: i32) -> (i32, i32, i32) {
    %add3A = arith.constant 13 : i32
    %add3A_0 = arith.addi %add3A, %arg1 : i32
    %min3A = arith.constant 48 : i32
    %min3A_1 = arith.minsi %add3A_0, %min3A : i32
    %c0_i32 = arith.constant 0 : i32
    %c0_i32_2 = arith.constant 0 : i32
    return %arg0, %c0_i32, %min3A_1 : i32, i32, i32
  }
  func.func @transform_2(%arg0: i32, %arg1: i32) -> (i32, i32, i32) {
    %add3A = arith.constant 26 : i32
    %add3A_0 = arith.addi %add3A, %arg1 : i32
    %min3A = arith.constant 48 : i32
    %min3A_1 = arith.minsi %add3A_0, %min3A : i32
    %c0_i32 = arith.constant 0 : i32
    %c0_i32_2 = arith.constant 0 : i32
    return %arg0, %c0_i32, %min3A_1 : i32, i32, i32
  }
  func.func @transform_3(%arg0: i32, %arg1: i32) -> (i32, i32, i32) {
    %add3A = arith.constant 39 : i32
    %add3A_0 = arith.addi %add3A, %arg1 : i32
    %min3A = arith.constant 48 : i32
    %min3A_1 = arith.minsi %add3A_0, %min3A : i32
    %c0_i32 = arith.constant 0 : i32
    %c0_i32_2 = arith.constant 0 : i32
    return %arg0, %c0_i32, %min3A_1 : i32, i32, i32
  }
  func.func @transform_4(%arg0: i32, %arg1: i32) -> (i32, i32) {
    %mul3A = arith.constant 13 : i32
    %mul3A_0 = arith.muli %arg0, %mul3A : i32
    %add3A = arith.addi %mul3A_0, %arg1 : i32
    %c0_i32 = arith.constant 0 : i32
    %c0_i32_1 = arith.constant 0 : i32
    return %add3A, %c0_i32 : i32, i32
  }
}

module attributes {stable_mosaic.version = 14 : i64} {
  func.func @_mlp_body(%arg0: i32, %arg1: memref<2048x64xf32, #tpu.memory_space<vmem>>, %arg2: memref<2048x128xf32, #tpu.memory_space<vmem>>, %arg3: memref<2048x128xf32, #tpu.memory_space<vmem>>, %arg4: memref<2048x128xf32, #tpu.memory_space<vmem>>, %arg5: memref<2048x128xf32, #tpu.memory_space<vmem>>, %arg6: memref<2048x128xf32, #tpu.memory_space<vmem>>, %arg7: memref<2048x128xf32, #tpu.memory_space<vmem>>, %arg8: memref<2048x128xf32, #tpu.memory_space<vmem>>, %arg9: memref<2048x7xi32, #tpu.memory_space<vmem>>, %arg10: memref<64x256xbf16, #tpu.memory_space<vmem>>, %arg11: memref<896x256xbf16, #tpu.memory_space<vmem>>, %arg12: memref<1x256xf32, #tpu.memory_space<vmem>>, %arg13: memref<256x2xbf16, #tpu.memory_space<vmem>>, %arg14: memref<1x2xf32, #tpu.memory_space<vmem>>, %arg15: memref<2048x2xf32, #tpu.memory_space<vmem>>) attributes {dimension_semantics = [#tpu.dimension_semantics<arbitrary>], iteration_bounds = array<i64: 8>, scalar_prefetch = 0 : i64, scratch_operands = 0 : i64, tpu.core_type = #tpu.core_type<tc>, window_params = [{transform_indices = @transform_0, window_bounds = array<i64: 2048, 64>}, {transform_indices = @transform_1, window_bounds = array<i64: 2048, 128>}, {transform_indices = @transform_2, window_bounds = array<i64: 2048, 128>}, {transform_indices = @transform_3, window_bounds = array<i64: 2048, 128>}, {transform_indices = @transform_4, window_bounds = array<i64: 2048, 128>}, {transform_indices = @transform_5, window_bounds = array<i64: 2048, 128>}, {transform_indices = @transform_6, window_bounds = array<i64: 2048, 128>}, {transform_indices = @transform_7, window_bounds = array<i64: 2048, 128>}, {transform_indices = @transform_8, window_bounds = array<i64: 2048, 7>}, {pipeline_mode = #tpu.pipeline_mode<synchronous>, transform_indices = @transform_9, window_bounds = array<i64: 64, 256>}, {pipeline_mode = #tpu.pipeline_mode<synchronous>, transform_indices = @transform_10, window_bounds = array<i64: 896, 256>}, {pipeline_mode = #tpu.pipeline_mode<synchronous>, transform_indices = @transform_11, window_bounds = array<i64: 1, 256>}, {pipeline_mode = #tpu.pipeline_mode<synchronous>, transform_indices = @transform_12, window_bounds = array<i64: 256, 2>}, {pipeline_mode = #tpu.pipeline_mode<synchronous>, transform_indices = @transform_13, window_bounds = array<i64: 1, 2>}, {transform_indices = @transform_14, window_bounds = array<i64: 2048, 2>}]} {
    %iota3A = tpu.iota {dimensions = array<i32: 1>} : vector<1x128xi32>
    %jit3A = arith.constant 32 : i32
    %div3A = vector.broadcast %jit3A : i32 to vector<1x128xi32>
    %div3A_0 = arith.divsi %iota3A, %div3A : vector<1x128xi32>
    %sign3A = arith.constant 0 : i32
    %sign3A_1 = vector.broadcast %sign3A : i32 to vector<1x128xi32>
    %sign3A_2 = arith.cmpi sgt, %iota3A, %sign3A_1 : vector<1x128xi32>
    %sign3A_3 = arith.extui %sign3A_2 : vector<1x128xi1> to vector<1x128xi32>
    %sign3A_4 = arith.constant 0 : i32
    %sign3A_5 = vector.broadcast %sign3A_4 : i32 to vector<1x128xi32>
    %sign3A_6 = arith.cmpi slt, %iota3A, %sign3A_5 : vector<1x128xi32>
    %sign3A_7 = arith.extui %sign3A_6 : vector<1x128xi1> to vector<1x128xi32>
    %sign3A_8 = arith.subi %sign3A_3, %sign3A_7 : vector<1x128xi32>
    %sign3A_9 = arith.constant 0 : i32
    %sign3A_10 = arith.cmpi sgt, %jit3A, %sign3A_9 : i32
    %sign3A_11 = arith.extui %sign3A_10 : i1 to i32
    %sign3A_12 = arith.constant 0 : i32
    %sign3A_13 = arith.cmpi slt, %jit3A, %sign3A_12 : i32
    %sign3A_14 = arith.extui %sign3A_13 : i1 to i32
    %sign3A_15 = arith.subi %sign3A_11, %sign3A_14 : i32
    %ne3A = vector.broadcast %sign3A_15 : i32 to vector<1x128xi32>
    %ne3A_16 = arith.cmpi ne, %sign3A_8, %ne3A : vector<1x128xi32>
    %rem3A = vector.broadcast %jit3A : i32 to vector<1x128xi32>
    %rem3A_17 = arith.remsi %iota3A, %rem3A : vector<1x128xi32>
    %ne3A_18 = arith.constant 0 : i32
    %ne3A_19 = vector.broadcast %ne3A_18 : i32 to vector<1x128xi32>
    %ne3A_20 = arith.cmpi ne, %rem3A_17, %ne3A_19 : vector<1x128xi32>
    %and3A = arith.andi %ne3A_16, %ne3A_20 : vector<1x128xi1>
    %sub3A = arith.constant 1 : i32
    %sub3A_21 = vector.broadcast %sub3A : i32 to vector<1x128xi32>
    %sub3A_22 = arith.subi %div3A_0, %sub3A_21 : vector<1x128xi32>
    %select_n3A = arith.select %and3A, %sub3A_22, %div3A_0 : vector<1x128xi1>, vector<1x128xi32>
    %get3A = arith.constant 0 : index
    %get3A_23 = arith.constant 0 : index
    %get3A_24 = vector.load %arg1[%get3A, %get3A_23] : memref<2048x64xf32, #tpu.memory_space<vmem>>, vector<2048x64xf32>
    %convert_element_type3A = arith.truncf %get3A_24 : vector<2048x64xf32> to vector<2048x64xbf16>
    %get3A_25 = arith.constant 0 : index
    %get3A_26 = arith.constant 0 : index
    %get3A_27 = vector.load %arg10[%get3A_25, %get3A_26] : memref<64x256xbf16, #tpu.memory_space<vmem>>, vector<64x256xbf16>
    %dot_general3A = arith.constant dense<0.000000e+00> : vector<2048x256xf32>
    %dot_general3A_28 = tpu.matmul %convert_element_type3A, %get3A_27, %dot_general3A {dimension_numbers = #tpu.dot_dimension_numbers<[1], [0], [0], [1], [0, 0, 1, 1], [], []>, transpose_lhs_hint = false} : vector<2048x64xbf16>, vector<64x256xbf16>, vector<2048x256xf32> -> vector<2048x256xf32>
    %get3A_29 = arith.constant 0 : index
    %get3A_30 = arith.constant 0 : index
    %get3A_31 = vector.load %arg9[%get3A_29, %get3A_30] : memref<2048x7xi32, #tpu.memory_space<vmem>>, vector<2048x1xi32>
    %eq3A = vector.broadcast %get3A_31 : vector<2048x1xi32> to vector<2048x128xi32>
    %eq3A_32 = vector.broadcast %select_n3A : vector<1x128xi32> to vector<2048x128xi32>
    %eq3A_33 = arith.cmpi eq, %eq3A, %eq3A_32 : vector<2048x128xi32>
    %get3A_34 = arith.constant 0 : index
    %get3A_35 = arith.constant 0 : index
    %get3A_36 = vector.load %arg2[%get3A_34, %get3A_35] : memref<2048x128xf32, #tpu.memory_space<vmem>>, vector<2048x128xf32>
    %jit3A_37 = arith.constant 0.000000e+00 : f32
    %broadcast_in_dim3A = vector.broadcast %jit3A_37 : f32 to vector<2048x128xf32>
    %select_n3A_38 = arith.select %eq3A_33, %get3A_36, %broadcast_in_dim3A : vector<2048x128xi1>, vector<2048x128xf32>
    %convert_element_type3A_39 = arith.truncf %select_n3A_38 : vector<2048x128xf32> to vector<2048x128xbf16>
    %get3A_40 = arith.constant 0 : index
    %get3A_41 = arith.constant 0 : index
    %get3A_42 = vector.load %arg11[%get3A_40, %get3A_41] : memref<896x256xbf16, #tpu.memory_space<vmem>>, vector<128x256xbf16>
    %dot_general3A_43 = arith.constant dense<0.000000e+00> : vector<2048x256xf32>
    %dot_general3A_44 = tpu.matmul %convert_element_type3A_39, %get3A_42, %dot_general3A_43 {dimension_numbers = #tpu.dot_dimension_numbers<[1], [0], [0], [1], [0, 0, 1, 1], [], []>, transpose_lhs_hint = false} : vector<2048x128xbf16>, vector<128x256xbf16>, vector<2048x256xf32> -> vector<2048x256xf32>
    %add3A = arith.addf %dot_general3A_28, %dot_general3A_44 : vector<2048x256xf32>
    %get3A_45 = arith.constant 0 : index
    %get3A_46 = arith.constant 1 : index
    %get3A_47 = vector.load %arg9[%get3A_45, %get3A_46] : memref<2048x7xi32, #tpu.memory_space<vmem>>, vector<2048x1xi32>
    %eq3A_48 = vector.broadcast %get3A_47 : vector<2048x1xi32> to vector<2048x128xi32>
    %eq3A_49 = vector.broadcast %select_n3A : vector<1x128xi32> to vector<2048x128xi32>
    %eq3A_50 = arith.cmpi eq, %eq3A_48, %eq3A_49 : vector<2048x128xi32>
    %get3A_51 = arith.constant 0 : index
    %get3A_52 = arith.constant 0 : index
    %get3A_53 = vector.load %arg3[%get3A_51, %get3A_52] : memref<2048x128xf32, #tpu.memory_space<vmem>>, vector<2048x128xf32>
    %jit3A_54 = arith.constant 0.000000e+00 : f32
    %broadcast_in_dim3A_55 = vector.broadcast %jit3A_54 : f32 to vector<2048x128xf32>
    %select_n3A_56 = arith.select %eq3A_50, %get3A_53, %broadcast_in_dim3A_55 : vector<2048x128xi1>, vector<2048x128xf32>
    %convert_element_type3A_57 = arith.truncf %select_n3A_56 : vector<2048x128xf32> to vector<2048x128xbf16>
    %get3A_58 = arith.constant 128 : index
    %get3A_59 = arith.constant 0 : index
    %get3A_60 = vector.load %arg11[%get3A_58, %get3A_59] : memref<896x256xbf16, #tpu.memory_space<vmem>>, vector<128x256xbf16>
    %dot_general3A_61 = arith.constant dense<0.000000e+00> : vector<2048x256xf32>
    %dot_general3A_62 = tpu.matmul %convert_element_type3A_57, %get3A_60, %dot_general3A_61 {dimension_numbers = #tpu.dot_dimension_numbers<[1], [0], [0], [1], [0, 0, 1, 1], [], []>, transpose_lhs_hint = false} : vector<2048x128xbf16>, vector<128x256xbf16>, vector<2048x256xf32> -> vector<2048x256xf32>
    %add3A_63 = arith.addf %add3A, %dot_general3A_62 : vector<2048x256xf32>
    %get3A_64 = arith.constant 0 : index
    %get3A_65 = arith.constant 2 : index
    %get3A_66 = vector.load %arg9[%get3A_64, %get3A_65] : memref<2048x7xi32, #tpu.memory_space<vmem>>, vector<2048x1xi32>
    %eq3A_67 = vector.broadcast %get3A_66 : vector<2048x1xi32> to vector<2048x128xi32>
    %eq3A_68 = vector.broadcast %select_n3A : vector<1x128xi32> to vector<2048x128xi32>
    %eq3A_69 = arith.cmpi eq, %eq3A_67, %eq3A_68 : vector<2048x128xi32>
    %get3A_70 = arith.constant 0 : index
    %get3A_71 = arith.constant 0 : index
    %get3A_72 = vector.load %arg4[%get3A_70, %get3A_71] : memref<2048x128xf32, #tpu.memory_space<vmem>>, vector<2048x128xf32>
    %jit3A_73 = arith.constant 0.000000e+00 : f32
    %broadcast_in_dim3A_74 = vector.broadcast %jit3A_73 : f32 to vector<2048x128xf32>
    %select_n3A_75 = arith.select %eq3A_69, %get3A_72, %broadcast_in_dim3A_74 : vector<2048x128xi1>, vector<2048x128xf32>
    %convert_element_type3A_76 = arith.truncf %select_n3A_75 : vector<2048x128xf32> to vector<2048x128xbf16>
    %get3A_77 = arith.constant 256 : index
    %get3A_78 = arith.constant 0 : index
    %get3A_79 = vector.load %arg11[%get3A_77, %get3A_78] : memref<896x256xbf16, #tpu.memory_space<vmem>>, vector<128x256xbf16>
    %dot_general3A_80 = arith.constant dense<0.000000e+00> : vector<2048x256xf32>
    %dot_general3A_81 = tpu.matmul %convert_element_type3A_76, %get3A_79, %dot_general3A_80 {dimension_numbers = #tpu.dot_dimension_numbers<[1], [0], [0], [1], [0, 0, 1, 1], [], []>, transpose_lhs_hint = false} : vector<2048x128xbf16>, vector<128x256xbf16>, vector<2048x256xf32> -> vector<2048x256xf32>
    %add3A_82 = arith.addf %add3A_63, %dot_general3A_81 : vector<2048x256xf32>
    %get3A_83 = arith.constant 0 : index
    %get3A_84 = arith.constant 3 : index
    %get3A_85 = vector.load %arg9[%get3A_83, %get3A_84] : memref<2048x7xi32, #tpu.memory_space<vmem>>, vector<2048x1xi32>
    %eq3A_86 = vector.broadcast %get3A_85 : vector<2048x1xi32> to vector<2048x128xi32>
    %eq3A_87 = vector.broadcast %select_n3A : vector<1x128xi32> to vector<2048x128xi32>
    %eq3A_88 = arith.cmpi eq, %eq3A_86, %eq3A_87 : vector<2048x128xi32>
    %get3A_89 = arith.constant 0 : index
    %get3A_90 = arith.constant 0 : index
    %get3A_91 = vector.load %arg5[%get3A_89, %get3A_90] : memref<2048x128xf32, #tpu.memory_space<vmem>>, vector<2048x128xf32>
    %jit3A_92 = arith.constant 0.000000e+00 : f32
    %broadcast_in_dim3A_93 = vector.broadcast %jit3A_92 : f32 to vector<2048x128xf32>
    %select_n3A_94 = arith.select %eq3A_88, %get3A_91, %broadcast_in_dim3A_93 : vector<2048x128xi1>, vector<2048x128xf32>
    %convert_element_type3A_95 = arith.truncf %select_n3A_94 : vector<2048x128xf32> to vector<2048x128xbf16>
    %get3A_96 = arith.constant 384 : index
    %get3A_97 = arith.constant 0 : index
    %get3A_98 = vector.load %arg11[%get3A_96, %get3A_97] : memref<896x256xbf16, #tpu.memory_space<vmem>>, vector<128x256xbf16>
    %dot_general3A_99 = arith.constant dense<0.000000e+00> : vector<2048x256xf32>
    %dot_general3A_100 = tpu.matmul %convert_element_type3A_95, %get3A_98, %dot_general3A_99 {dimension_numbers = #tpu.dot_dimension_numbers<[1], [0], [0], [1], [0, 0, 1, 1], [], []>, transpose_lhs_hint = false} : vector<2048x128xbf16>, vector<128x256xbf16>, vector<2048x256xf32> -> vector<2048x256xf32>
    %add3A_101 = arith.addf %add3A_82, %dot_general3A_100 : vector<2048x256xf32>
    %get3A_102 = arith.constant 0 : index
    %get3A_103 = arith.constant 4 : index
    %get3A_104 = vector.load %arg9[%get3A_102, %get3A_103] : memref<2048x7xi32, #tpu.memory_space<vmem>>, vector<2048x1xi32>
    %eq3A_105 = vector.broadcast %get3A_104 : vector<2048x1xi32> to vector<2048x128xi32>
    %eq3A_106 = vector.broadcast %select_n3A : vector<1x128xi32> to vector<2048x128xi32>
    %eq3A_107 = arith.cmpi eq, %eq3A_105, %eq3A_106 : vector<2048x128xi32>
    %get3A_108 = arith.constant 0 : index
    %get3A_109 = arith.constant 0 : index
    %get3A_110 = vector.load %arg6[%get3A_108, %get3A_109] : memref<2048x128xf32, #tpu.memory_space<vmem>>, vector<2048x128xf32>
    %jit3A_111 = arith.constant 0.000000e+00 : f32
    %broadcast_in_dim3A_112 = vector.broadcast %jit3A_111 : f32 to vector<2048x128xf32>
    %select_n3A_113 = arith.select %eq3A_107, %get3A_110, %broadcast_in_dim3A_112 : vector<2048x128xi1>, vector<2048x128xf32>
    %convert_element_type3A_114 = arith.truncf %select_n3A_113 : vector<2048x128xf32> to vector<2048x128xbf16>
    %get3A_115 = arith.constant 512 : index
    %get3A_116 = arith.constant 0 : index
    %get3A_117 = vector.load %arg11[%get3A_115, %get3A_116] : memref<896x256xbf16, #tpu.memory_space<vmem>>, vector<128x256xbf16>
    %dot_general3A_118 = arith.constant dense<0.000000e+00> : vector<2048x256xf32>
    %dot_general3A_119 = tpu.matmul %convert_element_type3A_114, %get3A_117, %dot_general3A_118 {dimension_numbers = #tpu.dot_dimension_numbers<[1], [0], [0], [1], [0, 0, 1, 1], [], []>, transpose_lhs_hint = false} : vector<2048x128xbf16>, vector<128x256xbf16>, vector<2048x256xf32> -> vector<2048x256xf32>
    %add3A_120 = arith.addf %add3A_101, %dot_general3A_119 : vector<2048x256xf32>
    %get3A_121 = arith.constant 0 : index
    %get3A_122 = arith.constant 5 : index
    %get3A_123 = vector.load %arg9[%get3A_121, %get3A_122] : memref<2048x7xi32, #tpu.memory_space<vmem>>, vector<2048x1xi32>
    %eq3A_124 = vector.broadcast %get3A_123 : vector<2048x1xi32> to vector<2048x128xi32>
    %eq3A_125 = vector.broadcast %select_n3A : vector<1x128xi32> to vector<2048x128xi32>
    %eq3A_126 = arith.cmpi eq, %eq3A_124, %eq3A_125 : vector<2048x128xi32>
    %get3A_127 = arith.constant 0 : index
    %get3A_128 = arith.constant 0 : index
    %get3A_129 = vector.load %arg7[%get3A_127, %get3A_128] : memref<2048x128xf32, #tpu.memory_space<vmem>>, vector<2048x128xf32>
    %jit3A_130 = arith.constant 0.000000e+00 : f32
    %broadcast_in_dim3A_131 = vector.broadcast %jit3A_130 : f32 to vector<2048x128xf32>
    %select_n3A_132 = arith.select %eq3A_126, %get3A_129, %broadcast_in_dim3A_131 : vector<2048x128xi1>, vector<2048x128xf32>
    %convert_element_type3A_133 = arith.truncf %select_n3A_132 : vector<2048x128xf32> to vector<2048x128xbf16>
    %get3A_134 = arith.constant 640 : index
    %get3A_135 = arith.constant 0 : index
    %get3A_136 = vector.load %arg11[%get3A_134, %get3A_135] : memref<896x256xbf16, #tpu.memory_space<vmem>>, vector<128x256xbf16>
    %dot_general3A_137 = arith.constant dense<0.000000e+00> : vector<2048x256xf32>
    %dot_general3A_138 = tpu.matmul %convert_element_type3A_133, %get3A_136, %dot_general3A_137 {dimension_numbers = #tpu.dot_dimension_numbers<[1], [0], [0], [1], [0, 0, 1, 1], [], []>, transpose_lhs_hint = false} : vector<2048x128xbf16>, vector<128x256xbf16>, vector<2048x256xf32> -> vector<2048x256xf32>
    %add3A_139 = arith.addf %add3A_120, %dot_general3A_138 : vector<2048x256xf32>
    %get3A_140 = arith.constant 0 : index
    %get3A_141 = arith.constant 6 : index
    %get3A_142 = vector.load %arg9[%get3A_140, %get3A_141] : memref<2048x7xi32, #tpu.memory_space<vmem>>, vector<2048x1xi32>
    %eq3A_143 = vector.broadcast %get3A_142 : vector<2048x1xi32> to vector<2048x128xi32>
    %eq3A_144 = vector.broadcast %select_n3A : vector<1x128xi32> to vector<2048x128xi32>
    %eq3A_145 = arith.cmpi eq, %eq3A_143, %eq3A_144 : vector<2048x128xi32>
    %get3A_146 = arith.constant 0 : index
    %get3A_147 = arith.constant 0 : index
    %get3A_148 = vector.load %arg8[%get3A_146, %get3A_147] : memref<2048x128xf32, #tpu.memory_space<vmem>>, vector<2048x128xf32>
    %jit3A_149 = arith.constant 0.000000e+00 : f32
    %broadcast_in_dim3A_150 = vector.broadcast %jit3A_149 : f32 to vector<2048x128xf32>
    %select_n3A_151 = arith.select %eq3A_145, %get3A_148, %broadcast_in_dim3A_150 : vector<2048x128xi1>, vector<2048x128xf32>
    %convert_element_type3A_152 = arith.truncf %select_n3A_151 : vector<2048x128xf32> to vector<2048x128xbf16>
    %get3A_153 = arith.constant 768 : index
    %get3A_154 = arith.constant 0 : index
    %get3A_155 = vector.load %arg11[%get3A_153, %get3A_154] : memref<896x256xbf16, #tpu.memory_space<vmem>>, vector<128x256xbf16>
    %dot_general3A_156 = arith.constant dense<0.000000e+00> : vector<2048x256xf32>
    %dot_general3A_157 = tpu.matmul %convert_element_type3A_152, %get3A_155, %dot_general3A_156 {dimension_numbers = #tpu.dot_dimension_numbers<[1], [0], [0], [1], [0, 0, 1, 1], [], []>, transpose_lhs_hint = false} : vector<2048x128xbf16>, vector<128x256xbf16>, vector<2048x256xf32> -> vector<2048x256xf32>
    %add3A_158 = arith.addf %add3A_139, %dot_general3A_157 : vector<2048x256xf32>
    %get3A_159 = arith.constant 0 : index
    %get3A_160 = arith.constant 0 : index
    %get3A_161 = vector.load %arg12[%get3A_159, %get3A_160] : memref<1x256xf32, #tpu.memory_space<vmem>>, vector<1x256xf32>
    %add3A_162 = vector.broadcast %get3A_161 : vector<1x256xf32> to vector<2048x256xf32>
    %add3A_163 = arith.addf %add3A_158, %add3A_162 : vector<2048x256xf32>
    %max3A = arith.constant 0.000000e+00 : f32
    %max3A_164 = vector.broadcast %max3A : f32 to vector<2048x256xf32>
    %max3A_165 = arith.maximumf %add3A_163, %max3A_164 : vector<2048x256xf32>
    %convert_element_type3A_166 = arith.truncf %max3A_165 : vector<2048x256xf32> to vector<2048x256xbf16>
    %get3A_167 = arith.constant 0 : index
    %get3A_168 = arith.constant 0 : index
    %get3A_169 = vector.load %arg13[%get3A_167, %get3A_168] : memref<256x2xbf16, #tpu.memory_space<vmem>>, vector<256x2xbf16>
    %dot_general3A_170 = arith.constant dense<0.000000e+00> : vector<2048x2xf32>
    %dot_general3A_171 = tpu.matmul %convert_element_type3A_166, %get3A_169, %dot_general3A_170 {dimension_numbers = #tpu.dot_dimension_numbers<[1], [0], [0], [1], [0, 0, 1, 1], [], []>, transpose_lhs_hint = false} : vector<2048x256xbf16>, vector<256x2xbf16>, vector<2048x2xf32> -> vector<2048x2xf32>
    %get3A_172 = arith.constant 0 : index
    %get3A_173 = arith.constant 0 : index
    %get3A_174 = vector.load %arg14[%get3A_172, %get3A_173] : memref<1x2xf32, #tpu.memory_space<vmem>>, vector<1x2xf32>
    %add3A_175 = vector.broadcast %get3A_174 : vector<1x2xf32> to vector<2048x2xf32>
    %add3A_176 = arith.addf %dot_general3A_171, %add3A_175 : vector<2048x2xf32>
    %reduce_max3A = arith.constant dense<0xFF800000> : vector<2048xf32>
    %reduce_max3A_177 = vector.multi_reduction <maximumf>, %add3A_176, %reduce_max3A [1] : vector<2048x2xf32> to vector<2048xf32>
    %broadcast_in_dim3A_178 = vector.shape_cast %reduce_max3A_177 : vector<2048xf32> to vector<2048x1xf32>
    %sub3A_179 = vector.broadcast %broadcast_in_dim3A_178 : vector<2048x1xf32> to vector<2048x2xf32>
    %sub3A_180 = arith.subf %add3A_176, %sub3A_179 : vector<2048x2xf32>
    %exp3A = math.exp %sub3A_180 : vector<2048x2xf32>
    %reduce_sum3A = arith.constant dense<0.000000e+00> : vector<2048xf32>
    %reduce_sum3A_181 = vector.multi_reduction <add>, %exp3A, %reduce_sum3A [1] : vector<2048x2xf32> to vector<2048xf32>
    %broadcast_in_dim3A_182 = vector.shape_cast %reduce_sum3A_181 : vector<2048xf32> to vector<2048x1xf32>
    %div3A_183 = vector.broadcast %broadcast_in_dim3A_182 : vector<2048x1xf32> to vector<2048x2xf32>
    %div3A_184 = arith.divf %exp3A, %div3A_183 : vector<2048x2xf32>
    %swap3A = arith.constant 0 : index
    %swap3A_185 = arith.constant 0 : index
    %swap3A_186 = vector.load %arg15[%swap3A, %swap3A_185] : memref<2048x2xf32, #tpu.memory_space<vmem>>, vector<2048x2xf32>
    tpu.vector_store %arg15[%swap3A, %swap3A_185], %div3A_184 {strides = array<i32>} : memref<2048x2xf32, #tpu.memory_space<vmem>>, vector<2048x2xf32>,
    return
  }
  func.func @transform_0(%arg0: i32) -> (i32, i32) {
    %c0_i32 = arith.constant 0 : i32
    %c0_i32_0 = arith.constant 0 : i32
    return %arg0, %c0_i32 : i32, i32
  }
  func.func @transform_1(%arg0: i32) -> (i32, i32) {
    %c0_i32 = arith.constant 0 : i32
    %c0_i32_0 = arith.constant 0 : i32
    return %arg0, %c0_i32 : i32, i32
  }
  func.func @transform_2(%arg0: i32) -> (i32, i32) {
    %c0_i32 = arith.constant 0 : i32
    %c0_i32_0 = arith.constant 0 : i32
    return %arg0, %c0_i32 : i32, i32
  }
  func.func @transform_3(%arg0: i32) -> (i32, i32) {
    %c0_i32 = arith.constant 0 : i32
    %c0_i32_0 = arith.constant 0 : i32
    return %arg0, %c0_i32 : i32, i32
  }
  func.func @transform_4(%arg0: i32) -> (i32, i32) {
    %c0_i32 = arith.constant 0 : i32
    %c0_i32_0 = arith.constant 0 : i32
    return %arg0, %c0_i32 : i32, i32
  }
  func.func @transform_5(%arg0: i32) -> (i32, i32) {
    %c0_i32 = arith.constant 0 : i32
    %c0_i32_0 = arith.constant 0 : i32
    return %arg0, %c0_i32 : i32, i32
  }
  func.func @transform_6(%arg0: i32) -> (i32, i32) {
    %c0_i32 = arith.constant 0 : i32
    %c0_i32_0 = arith.constant 0 : i32
    return %arg0, %c0_i32 : i32, i32
  }
  func.func @transform_7(%arg0: i32) -> (i32, i32) {
    %c0_i32 = arith.constant 0 : i32
    %c0_i32_0 = arith.constant 0 : i32
    return %arg0, %c0_i32 : i32, i32
  }
  func.func @transform_8(%arg0: i32) -> (i32, i32) {
    %c0_i32 = arith.constant 0 : i32
    %c0_i32_0 = arith.constant 0 : i32
    return %arg0, %c0_i32 : i32, i32
  }
  func.func @transform_9(%arg0: i32) -> (i32, i32) {
    %c0_i32 = arith.constant 0 : i32
    %c0_i32_0 = arith.constant 0 : i32
    %c0_i32_1 = arith.constant 0 : i32
    return %c0_i32, %c0_i32_0 : i32, i32
  }
  func.func @transform_10(%arg0: i32) -> (i32, i32) {
    %c0_i32 = arith.constant 0 : i32
    %c0_i32_0 = arith.constant 0 : i32
    %c0_i32_1 = arith.constant 0 : i32
    return %c0_i32, %c0_i32_0 : i32, i32
  }
  func.func @transform_11(%arg0: i32) -> (i32, i32) {
    %c0_i32 = arith.constant 0 : i32
    %c0_i32_0 = arith.constant 0 : i32
    %c0_i32_1 = arith.constant 0 : i32
    return %c0_i32, %c0_i32_0 : i32, i32
  }
  func.func @transform_12(%arg0: i32) -> (i32, i32) {
    %c0_i32 = arith.constant 0 : i32
    %c0_i32_0 = arith.constant 0 : i32
    %c0_i32_1 = arith.constant 0 : i32
    return %c0_i32, %c0_i32_0 : i32, i32
  }
  func.func @transform_13(%arg0: i32) -> (i32, i32) {
    %c0_i32 = arith.constant 0 : i32
    %c0_i32_0 = arith.constant 0 : i32
    %c0_i32_1 = arith.constant 0 : i32
    return %c0_i32, %c0_i32_0 : i32, i32
  }
  func.func @transform_14(%arg0: i32) -> (i32, i32) {
    %c0_i32 = arith.constant 0 : i32
    %c0_i32_0 = arith.constant 0 : i32
    return %arg0, %c0_i32 : i32, i32
  }
}

</mosaic_0001>

<sc_bundles>
// kernel: kernel.10.cloned.1.call-start
scs
__scs_entry_jumppad:
0x0: {  	(pc) =	sbr.rel $0x88, $3  }
0x1: {  	(tag) =	ssettag $0x0;
	lr =	simm.s32 $0x1  }
0x2: {  	[smem:$0x3F98] =	sst lr;
	_ =	strace $0xD0000000  }
0x3: {  	_ = 	snop  }
0x4: {  	_ = 	snop  }
0x5: {  	_ = 	snop  }
0x6: {  	_ = 	snop  }
0x7: {  	_ = 	snop  }
__scs_overlays_trampoline_lowered:
0x8: {  	[smem:$0x3FA7] =	sst s0  }
0x9: {  	[smem:$0x3FA8] =	sst s1  }
0xa: {  	[smem:$0x3FA9] =	sst s2  }
0xb: {  	[smem:$0x3FAA] =	sst s3  }
0xc: {  	[smem:$0x3FAB] =	sst s4  }
0xd: {  	[smem:$0x3FAC] =	sst s5  }
0xe: {  	[smem:$0x3FAD] =	sst s6  }
0xf: {  	[smem:$0x3FAE] =	sst s7  }
0x10: {  	[smem:$0x3FAF] =	sst s8  }
0x11: {  	[smem:$0x3FB0] =	sst s9;
	s0 =	simm.s32 @!p0 $0x0  }
0x12: {  	s1 =	sld [smem:$0x3F96];
	s0 =	simm.s32 @p0 $0x1  }
0x13: {  	[smem:$0x3FB1] =	sst s0;
	s0 =	simm.s32 @!p1 $0x0  }
0x14: {  	s2 =	sld [smem:$0x3F95];
	s0 =	simm.s32 @p1 $0x1  }
0x15: {  	[smem:$0x3FB2] =	sst s0;
	s0 =	simm.s32 @!p2 $0x0  }
0x16: {  	s3 =	sld [smem:$0x3FDB];
	s0 =	simm.s32 @p2 $0x1  }
0x17: {  	s4 =	simm.s32 $0x1BF5;
	[smem:$0x3FB4] =	sst s0  }
0x18: {  	s0 =	sld [smem:$0x3F97];
	_ =	swait.ge [sflag:s4], $0x0  }
0x19: {  	s7 =	sld [smem:$0x3F98]  }
0x1a: {  	s8 =	sadd.s32 $0xFFFFE003, lr  }
0x1b: {  	s9 =	sadd.s32 $0xFFFFFEF7, lr;
	s5 =	simm.s32 $0xFFFFFFFF;
	p2 =	slt.u32 s8, $0xFFFFF086  }
0x1c: {  	p1 =	slt.u32 s9, $0xF7A;
	s5 =	simm.s32 @!p2 $0x0  }
0x1d: {  	s5 =	simm.s32 @p1 $0x1;
	p0 =	seq.s32 s7, s2  }
0x1e: {  	s7 =	smul.u32 @!p0 $0xF7A, s2;
	p2 =	seq.s32 @!p0 s5, $0x0  }
0x1f: {  	s9 =	smul.u32 $0xF7A, s1;
	s8 =	simm.s32 @!p0 $0x1BF5;
	p2 =	por !p2, p0  }
0x20: {  	[sflag:s8] =	ssyncset.s32 @!p0 $0xFFFFF086;
	s6 =	sadd.s32 @!p0 s3, s7;
	s7 =	simm.s32 @!p0 $0x108  }
0x21: {  	s3 =	sadd.s32 s3, s9;
	s6 =	sadd.s32 @!p0 $0x88, s6;
	s7 =	simm.s32 @p2 $0x1082  }
0x22: {  	[simem:s7], [sflag:s8] =	dma.local @!p0 [hbm:s6], $0xF7A  }
0x23: {  	s9 =	sor.u32 $0xD0000000, s2;
	s6 =	simm.s32 $0x108;
	_ =	swait.ge @!p0 [sflag:s8], $0x0  }
0x24: {  	s3 =	sadd.s32 $0x88, s3;
	s6 =	simm.s32 @!p1 $0x1082;
	[sflag:s4] =	ssyncset.s32 $0xFFFFF086  }
0x25: {  	[simem:s6], [sflag:s4] =	dma.local [hbm:s3], $0xF7A  }
0x26: {  	[smem:$0x3F98] =	sst s1;
	(tag) =	ssettag s2;
	_ =	strace s9  }
0x27: {  	s1 =	sld [smem:$0x3FA8]  }
0x28: {  	s2 =	sld [smem:$0x3FA9]  }
0x29: {  	s4 =	sld [smem:$0x3FAB]  }
0x2a: {  	p0 =	seq.s32 s5, $0x0;
	s5 =	sld [smem:$0x3FAC]  }
0x2b: {  	s6 =	sld [smem:$0x3FAD]  }
0x2c: {  	s7 =	sld [smem:$0x3FAE]  }
0x2d: {  	s3 =	simm.s32 $0x108;
	s8 =	sld [smem:$0x3FAF]  }
0x2e: {  	s3 =	simm.s32 @!p0 $0x1082;
	s9 =	sld [smem:$0x3FB0]  }
0x2f: {  	lr =	sadd.s32 s0, s3;
	s0 =	sld [smem:$0x3FA7]  }
0x30: {  	s3 =	sld [smem:$0x3FAA]  }
0x31: {  	[smem:$0x3FB3] =	sst s10  }
0x32: {  	s10 =	sld [smem:$0x3FB1];
	_ =	sdelay $0x3  }
0x33: {  	p0 =	seq.s32 s10, $0x1;
	s10 =	sld [smem:$0x3FB3];
	_ =	sdelay $0x3  }
0x34: {  	[smem:$0x3FB3] =	sst s10  }
0x35: {  	s10 =	sld [smem:$0x3FB2];
	_ =	sdelay $0x3  }
0x36: {  	p1 =	seq.s32 s10, $0x1;
	s10 =	sld [smem:$0x3FB3];
	_ =	sdelay $0x3  }
0x37: {  	[smem:$0x3FB3] =	sst s10  }
0x38: {  	s10 =	sld [smem:$0x3FB4]  }
0x39: {  	_ = 	snop;
	(pc) =	sbr.ind lr, $3  }
0x3a: {  	_ = 	snop  }
0x3b: {  	_ = 	snop  }
0x3c: {  	p2 =	seq.s32 s10, $0x1;
	s10 =	sld [smem:$0x3FB3]  }
0x3d: {  	_ =	shalt  }
0x3e: {  	_ =	shalt  }
0x3f: {  	_ =	shalt  }
0x40: {  	_ =	shalt  }
0x41: {  	_ =	shalt  }
0x42: {  	_ =	shalt  }
0x43: {  	_ =	shalt  }
0x44: {  	_ =	shalt  }
0x45: {  	_ =	shalt  }
0x46: {  	_ =	shalt  }
0x47: {  	_ =	shalt  }
0x48: {  	_ =	shalt  }
0x49: {  	_ =	shalt  }
0x4a: {  	_ =	shalt  }
0x4b: {  	_ =	shalt  }
0x4c: {  	_ =	shalt  }
0x4d: {  	_ =	shalt  }
0x4e: {  	_ =	shalt  }
0x4f: {  	_ =	shalt  }
0x50: {  	_ =	shalt  }
0x51: {  	_ =	shalt  }
0x52: {  	_ =	shalt  }
0x53: {  	_ =	shalt  }
0x54: {  	_ =	shalt  }
0x55: {  	_ =	shalt  }
0x56: {  	_ =	shalt  }
0x57: {  	_ =	shalt  }
0x58: {  	_ =	shalt  }
0x59: {  	_ =	shalt  }
0x5a: {  	_ =	shalt  }
0x5b: {  	_ =	shalt  }
0x5c: {  	_ =	shalt  }
0x5d: {  	_ =	shalt  }
0x5e: {  	_ =	shalt  }
0x5f: {  	_ =	shalt  }
0x60: {  	_ =	shalt  }
0x61: {  	_ =	shalt  }
0x62: {  	_ =	shalt  }
0x63: {  	_ =	shalt  }
0x64: {  	_ =	shalt  }
0x65: {  	_ =	shalt  }
0x66: {  	_ =	shalt  }
0x67: {  	_ =	shalt  }
0x68: {  	_ =	shalt  }
0x69: {  	_ =	shalt  }
0x6a: {  	_ =	shalt  }
0x6b: {  	_ =	shalt  }
0x6c: {  	_ =	shalt  }
0x6d: {  	_ =	shalt  }
0x6e: {  	_ =	shalt  }
0x6f: {  	_ =	shalt  }
0x70: {  	_ =	shalt  }
0x71: {  	_ =	shalt  }
0x72: {  	_ =	shalt  }
0x73: {  	_ =	shalt  }
0x74: {  	_ =	shalt  }
0x75: {  	_ =	shalt  }
0x76: {  	_ =	shalt  }
0x77: {  	_ =	shalt  }
0x78: {  	_ =	shalt  }
0x79: {  	_ =	shalt  }
0x7a: {  	_ =	shalt  }
0x7b: {  	_ =	shalt  }
0x7c: {  	_ =	shalt  }
0x7d: {  	_ =	shalt  }
0x7e: {  	_ =	shalt  }
0x7f: {  	_ =	shalt  }
0x80: {  	_ =	shalt  }
0x81: {  	_ =	shalt  }
0x82: {  	_ =	shalt  }
0x83: {  	_ =	shalt  }
0x84: {  	_ =	shalt  }
0x85: {  	_ =	shalt  }
0x86: {  	_ =	shalt  }
0x87: {  	_ =	shalt  }
.Lfunc_end0:
.L_simem_size_0:
called_computation.1_lowered:
.L_overlay_start_0:
0x88: {  	s2 =	sld [smem:$0x3FD9]  }
0x89: {  	s3 =	sld [smem:$0x3FFE];
	_ =	sdelay $0x1  }
0x8a: {  	s1 =	srdreg.scid  }
0x8b: {  	s0 =	sand.u32 $0x1, s1  }
0x8c: {  	s16 =	sshll.u32 s0, $0xA;
	s2 =	sadd.s32 s3, s2  }
0x8d: {  	s2 =	sadd.s32 s2, s16  }
0x8e: {  	[smem:$0x3FBF] =	sst s2  }
0x8f: {  	_ = 	snop  }
0x90: {  	(tm) =	ssettm $0x1  }
0x91: {  	s17 =	sld [smem:$0x3FFB];
	_ =	sdelay $0x3  }
0x92: {  	_ =	strace s17  }
0x93: {  	s2 =	sld [smem:$0x3FFC];
	_ =	sdelay $0x3  }
0x94: {  	_ =	strace s2  }
0x95: {  	s2 =	sld [smem:$0x3FFD];
	_ =	sdelay $0x3  }
0x96: {  	_ =	strace s2  }
0x97: {  	_ =	strace $0x8FFFFFFF  }
0x98: {  	s18 =	sld [smem:$0x3FDB];
	_ =	sdelay $0x1  }
0x99: {  	s19 =	simm.s32 $_scs_section_size  }
0x9a: {  	s4 =	simm.s32 $_size__tile_overlayer_lowered;
	s5 =	simm.s32 $_tile_overlayer_lowered  }
0x9b: {  	s22 =	simm.s32 $0x1BFF;
	s21 =	sshll.u32 s5, $0x1;
	s2 =	sadd.s32 s19, s18  }
0x9c: {  	s6 =	simm.s32 $0x0;
	s20 =	sshll.u32 s4, $0x1;
	s4 =	sadd.s32 s21, s2  }
0x9d: {  	[timem:s6], [sflag:s22] =	dma.local [hbm:s4], s20  }
0x9e: {  	_ =	swait.ge [sflag:s22], s20  }
0x9f: {  	s3 =	ssub.s32 $0x0, s20;
	[sflag:s22] =	ssyncset.done $0x0  }
0xa0: {  	[sflag:s22] =	ssyncadd.s32 s3;
	_ =	sdelay $0x1  }
0xa1: {  	s23 =	simm.s32 $0x1B8B  }
0xa2: {  	_ =	swait.ge [sflag:s23], $0x1  }
0xa3: {  	[sflag:s23] =	ssyncset.done $0x0  }
0xa4: {  	s25 =	simm.s32 $0x1B8E;
	s24 =	sld [smem:$0x3FFE];
	[sflag:s23] =	ssyncadd.s32 $0xFFFFFFFF  }
0xa5: {  	s26 =	simm.s32 $execute0_lowered;
	[smem:$0x3FD2] =	sst s25  }
0xa6: {  	s4 =	sshll.u32 s26, $0x1;
	_ =	strace $0x80000046;
	[dreg:$0x1] =	wrdreg $0xFFFFFFFF  }
0xa7: {  	s28 =	simm.s32 $_size_execute0_lowered;
	s2 =	sadd.s32 s2, s4;
	[dreg:$0x0] =	wrdreg $0x0  }
0xa8: {  	s4 =	sshll.u32 s28, $0x1;
	[dreg:$0x2] =	wrdreg s2  }
0xa9: {  	[dreg:$0x3] =	wrdreg s4  }
0xaa: {  	[dreg:$0x4] =	wrdreg $0xC0  }
0xab: {  	_ =	task [dreg:s6], $0x5FFFF  }
0xac: {  	[dreg:$0x1] =	wrdreg $0xFFFFFFFF  }
0xad: {  	[dreg:$0x0] =	wrdreg $0x60  }
0xae: {  	[dreg:$0x2] =	wrdreg s24  }
0xaf: {  	[dreg:$0x3] =	wrdreg $0xA  }
0xb0: {  	_ =	task.clear_ibuf [dreg:s6], $0x4FFFF;
	_ =	strace $0x90000046  }
0xb1: {  	s29 =	simm.s32 $0xA;
	_ =	strace $0x80000048  }
0xb2: {  	_ =	swait.ge [sflag:s29], $0x1  }
0xb3: {  	[sflag:s29] =	ssyncadd.s32 $0xFFFFFFFF  }
0xb4: {  	_ =	strace $0x90000048  }
0xb5: {  	_ =	sfence  }
0xb6: {  	s30 =	sld [smem:$0x0];
	_ =	sdelay $0x2  }
0xb7: {  	s31 =	sshll.u32 s1, $0xD;
	s1 =	sshrl.u32 s1, $0x2  }
0xb8: {  	s3 =	sand.u32 $0x4000, s31;
	s1 =	sadd.s32 s1, s30  }
0xb9: {  	s0 =	sor.u32 s3, s0;
	s1 =	sshll.u32 s1, $0x11  }
0xba: {  	s0 =	sor.u32 s1, s0  }
0xbb: {  	s0 =	sadd.s32 $0x8F2B, s0  }
0xbc: {  	[sflag:s0] =	ssyncadd.remote.s32 $0x1  }
0xbd: {  	_ =	sfence.sel $0xFFFF  }
0xbe: {  	[dreg:$0x0] =	wrdreg $0xFFFFFFFF;
	(pc) =	sbr.abs _section_cstart, $3  }
0xbf: {  	[dreg:$0x1] =	wrdreg $0xFFFFFFFF  }
0xc0: {  	_ =	task.clear_ibuf [dreg:s6], $0x2FFFF;
	_ =	strace $0x9FFFFFFF  }
0xc1: {  	(tm) =	ssettm $0x7FFFFFFF  }
tec
execute0_lowered:
.L_overlay_start_1:
0x0: {  	(tag) =	ssettag $0x1  }
0x1: {  	s1 =	srdreg.scid  }
0x2: {  	s0 =	stileid.u32;
	s20 =	sand.u32 $0x1, s1  }
0x3: {  	s30 =	sshll.u32 s0, $0xA;
	s2 =	sshll.u32 s20, $0x9  }
0x4: {  	s14 =	rddreg [dreg:$0x0];
	s15 =	sor.u32 s2, s30  }
0x5: {  	s1 =	rddreg [dreg:$0x1];
	s2 =	simm.s32 $0x0;
	s3 =	sshrl.u32 s15, $0x3  }
0x6: {  	[smem:$0x7FF] =	sst s2;
	s19 =	sadd.s32 s3, s14  }
0x7: {  	_ =	strace $0x80000047;
	s3 =	simm.s32 $0x2;
	s4 =	sadd.s32 $0x1A1E00, s19  }
0x8: {  	[tilespmem:s2], [sflag:$0x2] =	stream.linear.gather [hbm4b:s4+s2], $0x200, $0x38;
	[tilespmem:$0x10200] =	vst v63  }
0x9: {  	_ =	swait.ge [sflag:s3], $0x200  }
0xa: {  	s6 =	simm.s32 $0x80;
	[sflag:s3] =	ssyncset.done $0x0  }
0xb: {  	s7 =	simm.s32 $0x200;
	s5 =	sadd.s32 $0x1E00, s14;
	[sflag:s3] =	ssyncadd.s32 $0xFFFFFE00  }
0xc: {  	[tilespmem:s7], [sflag:$0x1] =	stream.indirect.gather [hbm4b:s5+s6], $0x80, s2, s6, $0xb8;
	[tilespmem:$0x10200] =	vst v63  }
0xd: {  	s8 =	simm.s32 $0x4200  }
0xe: {  	[tilespmem:s8], [sflag:$0x1] =	stream.indirect.gather [hbm4b:s5+s6], $0x80, s6, s6, $0xb8;
	[tilespmem:$0x10200] =	vst v63  }
0xf: {  	s9 =	simm.s32 $0x100;
	s10 =	simm.s32 $0x8200  }
0x10: {  	[tilespmem:s10], [sflag:$0x1] =	stream.indirect.gather [hbm4b:s5+s6], $0x80, s9, s6, $0xb8;
	[tilespmem:$0x10200] =	vst v63  }
0x11: {  	s11 =	simm.s32 $0x180;
	s12 =	simm.s32 $0xC200;
	s13 =	simm.s32 $0x1  }
0x12: {  	[tilespmem:s12], [sflag:$0x1] =	stream.indirect.gather [hbm4b:s5+s6], $0x80, s11, s6, $0xb8;
	[tilespmem:$0x10200] =	vst v63  }
0x13: {  	_ =	swait.ge [sflag:s13], $0x4000  }
0x14: {  	[sflag:s13] =	ssyncset.done $0x0  }
0x15: {  	[sflag:s13] =	ssyncadd.s32 $0xFFFFC000  }
0x16: {  	_ =	swait.ge [sflag:s13], $0x4000  }
0x17: {  	[sflag:s13] =	ssyncset.done $0x0  }
0x18: {  	[sflag:s13] =	ssyncadd.s32 $0xFFFFC000  }
0x19: {  	_ =	swait.ge [sflag:s13], $0x4000  }
0x1a: {  	[sflag:s13] =	ssyncset.done $0x0  }
0x1b: {  	[sflag:s13] =	ssyncadd.s32 $0xFFFFC000  }
0x1c: {  	s15 =	sshll.u32 s15, $0x4;
	_ =	swait.ge [sflag:s13], $0x4000  }
0x1d: {  	s21 =	sadd.s32 s15, s14;
	[sflag:s13] =	ssyncset.done $0x0  }
0x1e: {  	s14 =	sadd.s32 $0x1A3E00, s21;
	[sflag:s13] =	ssyncadd.s32 $0xFFFFC000  }
0x1f: {  	[hbm4b:s14+s2] =	stream.linear.scatter [tilespmem:s7], [sflag:$0x2], $0x10000, $0x38;
	[tilespmem:$0x10200] =	vst v63  }
0x20: {  	_ =	swait.ge [sflag:s3], $0x10000  }
0x21: {  	[sflag:s3] =	ssyncset.done $0x0  }
0x22: {  	s15 =	sadd.s32 $0x1A2600, s19;
	[sflag:s3] =	ssyncadd.s32 $0xFFFF0000  }
0x23: {  	[tilespmem:s2], [sflag:$0x2] =	stream.linear.gather [hbm4b:s15+s2], $0x200, $0x38;
	[tilespmem:$0x10200] =	vst v63  }
0x24: {  	_ =	swait.ge [sflag:s3], $0x200  }
0x25: {  	[sflag:s3] =	ssyncset.done $0x0  }
0x26: {  	[sflag:s3] =	ssyncadd.s32 $0xFFFFFE00  }
0x27: {  	[tilespmem:s7], [sflag:$0x1] =	stream.indirect.gather [hbm4b:s5+s6], $0x80, s2, s6, $0xb8;
	[tilespmem:$0x10200] =	vst v63  }
0x28: {  	_ = 	snop  }
0x29: {  	[tilespmem:s8], [sflag:$0x1] =	stream.indirect.gather [hbm4b:s5+s6], $0x80, s6, s6, $0xb8;
	[tilespmem:$0x10200] =	vst v63  }
0x2a: {  	_ = 	snop  }
0x2b: {  	[tilespmem:s10], [sflag:$0x1] =	stream.indirect.gather [hbm4b:s5+s6], $0x80, s9, s6, $0xb8;
	[tilespmem:$0x10200] =	vst v63  }
0x2c: {  	_ = 	snop  }
0x2d: {  	[tilespmem:s12], [sflag:$0x1] =	stream.indirect.gather [hbm4b:s5+s6], $0x80, s11, s6, $0xb8;
	[tilespmem:$0x10200] =	vst v63  }
0x2e: {  	_ =	swait.ge [sflag:s13], $0x4000  }
0x2f: {  	[sflag:s13] =	ssyncset.done $0x0  }
0x30: {  	[sflag:s13] =	ssyncadd.s32 $0xFFFFC000  }
0x31: {  	_ =	swait.ge [sflag:s13], $0x4000  }
0x32: {  	[sflag:s13] =	ssyncset.done $0x0  }
0x33: {  	[sflag:s13] =	ssyncadd.s32 $0xFFFFC000  }
0x34: {  	_ =	swait.ge [sflag:s13], $0x4000  }
0x35: {  	[sflag:s13] =	ssyncset.done $0x0  }
0x36: {  	[sflag:s13] =	ssyncadd.s32 $0xFFFFC000  }
0x37: {  	_ =	swait.ge [sflag:s13], $0x4000  }
0x38: {  	[sflag:s13] =	ssyncset.done $0x0  }
0x39: {  	s16 =	sadd.s32 $0x1E3E00, s21;
	[sflag:s13] =	ssyncadd.s32 $0xFFFFC000  }
0x3a: {  	[hbm4b:s16+s2] =	stream.linear.scatter [tilespmem:s7], [sflag:$0x2], $0x10000, $0x38;
	[tilespmem:$0x10200] =	vst v63  }
0x3b: {  	_ =	swait.ge [sflag:s3], $0x10000  }
0x3c: {  	[sflag:s3] =	ssyncset.done $0x0  }
0x3d: {  	s17 =	sadd.s32 $0x1A2E00, s19;
	[sflag:s3] =	ssyncadd.s32 $0xFFFF0000  }
0x3e: {  	[tilespmem:s2], [sflag:$0x2] =	stream.linear.gather [hbm4b:s17+s2], $0x200, $0x38;
	[tilespmem:$0x10200] =	vst v63  }
0x3f: {  	_ =	swait.ge [sflag:s3], $0x200  }
0x40: {  	[sflag:s3] =	ssyncset.done $0x0  }
0x41: {  	[sflag:s3] =	ssyncadd.s32 $0xFFFFFE00  }
0x42: {  	[tilespmem:s7], [sflag:$0x1] =	stream.indirect.gather [hbm4b:s5+s6], $0x80, s2, s6, $0xb8;
	[tilespmem:$0x10200] =	vst v63  }
0x43: {  	_ = 	snop  }
0x44: {  	[tilespmem:s8], [sflag:$0x1] =	stream.indirect.gather [hbm4b:s5+s6], $0x80, s6, s6, $0xb8;
	[tilespmem:$0x10200] =	vst v63  }
0x45: {  	_ = 	snop  }
0x46: {  	[tilespmem:s10], [sflag:$0x1] =	stream.indirect.gather [hbm4b:s5+s6], $0x80, s9, s6, $0xb8;
	[tilespmem:$0x10200] =	vst v63  }
0x47: {  	_ = 	snop  }
0x48: {  	[tilespmem:s12], [sflag:$0x1] =	stream.indirect.gather [hbm4b:s5+s6], $0x80, s11, s6, $0xb8;
	[tilespmem:$0x10200] =	vst v63  }
0x49: {  	_ =	swait.ge [sflag:s13], $0x4000  }
0x4a: {  	[sflag:s13] =	ssyncset.done $0x0  }
0x4b: {  	[sflag:s13] =	ssyncadd.s32 $0xFFFFC000  }
0x4c: {  	_ =	swait.ge [sflag:s13], $0x4000  }
0x4d: {  	[sflag:s13] =	ssyncset.done $0x0  }
0x4e: {  	[sflag:s13] =	ssyncadd.s32 $0xFFFFC000  }
0x4f: {  	_ =	swait.ge [sflag:s13], $0x4000  }
0x50: {  	[sflag:s13] =	ssyncset.done $0x0  }
0x51: {  	[sflag:s13] =	ssyncadd.s32 $0xFFFFC000  }
0x52: {  	_ =	swait.ge [sflag:s13], $0x4000  }
0x53: {  	[sflag:s13] =	ssyncset.done $0x0  }
0x54: {  	s18 =	sadd.s32 $0x223E00, s21;
	[sflag:s13] =	ssyncadd.s32 $0xFFFFC000  }
0x55: {  	[hbm4b:s18+s2] =	stream.linear.scatter [tilespmem:s7], [sflag:$0x2], $0x10000, $0x38;
	[tilespmem:$0x10200] =	vst v63  }
0x56: {  	_ =	swait.ge [sflag:s3], $0x10000  }
0x57: {  	[sflag:s3] =	ssyncset.done $0x0  }
0x58: {  	s19 =	sadd.s32 $0x1A3600, s19;
	[sflag:s3] =	ssyncadd.s32 $0xFFFF0000  }
0x59: {  	[tilespmem:s2], [sflag:$0x2] =	stream.linear.gather [hbm4b:s19+s2], $0x200, $0x38;
	[tilespmem:$0x10200] =	vst v63  }
0x5a: {  	_ =	swait.ge [sflag:s3], $0x200  }
0x5b: {  	[sflag:s3] =	ssyncset.done $0x0  }
0x5c: {  	[sflag:s3] =	ssyncadd.s32 $0xFFFFFE00  }
0x5d: {  	[tilespmem:s7], [sflag:$0x1] =	stream.indirect.gather [hbm4b:s5+s6], $0x80, s2, s6, $0xb8;
	[tilespmem:$0x10200] =	vst v63  }
0x5e: {  	_ = 	snop  }
0x5f: {  	[tilespmem:s8], [sflag:$0x1] =	stream.indirect.gather [hbm4b:s5+s6], $0x80, s6, s6, $0xb8;
	[tilespmem:$0x10200] =	vst v63  }
0x60: {  	_ = 	snop  }
0x61: {  	[tilespmem:s10], [sflag:$0x1] =	stream.indirect.gather [hbm4b:s5+s6], $0x80, s9, s6, $0xb8;
	[tilespmem:$0x10200] =	vst v63  }
0x62: {  	_ = 	snop  }
0x63: {  	[tilespmem:s12], [sflag:$0x1] =	stream.indirect.gather [hbm4b:s5+s6], $0x80, s11, s6, $0xb8;
	[tilespmem:$0x10200] =	vst v63  }
0x64: {  	_ =	swait.ge [sflag:s13], $0x4000  }
0x65: {  	[sflag:s13] =	ssyncset.done $0x0  }
0x66: {  	[sflag:s13] =	ssyncadd.s32 $0xFFFFC000  }
0x67: {  	_ =	swait.ge [sflag:s13], $0x4000  }
0x68: {  	[sflag:s13] =	ssyncset.done $0x0  }
0x69: {  	s20 =	ssub.s32 $0x2, s20;
	[sflag:s13] =	ssyncadd.s32 $0xFFFFC000  }
0x6a: {  	s22 =	sshrl.u32 s20, $0x1;
	_ =	swait.ge [sflag:s13], $0x4000  }
0x6b: {  	s22 =	ssub.s32 s20, s22;
	[sflag:s13] =	ssyncset.done $0x0  }
0x6c: {  	s31 =	smax.u32 s22, $0x1;
	[sflag:s13] =	ssyncadd.s32 $0xFFFFC000  }
0x6d: {  	p0 =	sne.s32 s31, $0x1;
	_ =	swait.ge [sflag:s13], $0x4000  }
.Ltmp0:
0x6e: {  	[sflag:s13] =	ssyncset.done $0x0;
	(pc) =	sbr.rel @!p0 .LBB2_2-.Ltmp0, $4  }
0x6f: {  	s20 =	sadd.s32 $0x263E00, s21;
	[sflag:s13] =	ssyncadd.s32 $0xFFFFC000  }
0x70: {  	[hbm4b:s20+s2] =	stream.linear.scatter [tilespmem:s7], [sflag:$0x2], $0x10000, $0x38;
	[tilespmem:$0x10200] =	vst v63  }
0x71: {  	_ =	swait.ge [sflag:s3], $0x10000  }
0x72: {  	s21 =	sadd.s32 $0xFFFFFFFF, s31;
	[sflag:s3] =	ssyncset.done $0x0  }
.LBB2_1:
0x73: {  	p0 =	sne.s32 s21, $0x1;
	s21 =	sadd.s32 $0xFFFFFFFF, s21;
	[sflag:s3] =	ssyncadd.s32 $0xFFFF0000  }
0x74: {  	[tilespmem:s2], [sflag:$0x2] =	stream.linear.gather [hbm4b:s4+s2], $0x200, $0x38;
	[tilespmem:$0x10200] =	vst v63  }
0x75: {  	_ =	swait.ge [sflag:s3], $0x200  }
0x76: {  	[sflag:s3] =	ssyncset.done $0x0  }
0x77: {  	[sflag:s3] =	ssyncadd.s32 $0xFFFFFE00  }
0x78: {  	[tilespmem:s7], [sflag:$0x1] =	stream.indirect.gather [hbm4b:s5+s6], $0x80, s2, s6, $0xb8;
	[tilespmem:$0x10200] =	vst v63  }
0x79: {  	_ = 	snop  }
0x7a: {  	[tilespmem:s8], [sflag:$0x1] =	stream.indirect.gather [hbm4b:s5+s6], $0x80, s6, s6, $0xb8;
	[tilespmem:$0x10200] =	vst v63  }
0x7b: {  	_ = 	snop  }
0x7c: {  	[tilespmem:s10], [sflag:$0x1] =	stream.indirect.gather [hbm4b:s5+s6], $0x80, s9, s6, $0xb8;
	[tilespmem:$0x10200] =	vst v63  }
0x7d: {  	_ = 	snop  }
0x7e: {  	[tilespmem:s12], [sflag:$0x1] =	stream.indirect.gather [hbm4b:s5+s6], $0x80, s11, s6, $0xb8;
	[tilespmem:$0x10200] =	vst v63  }
0x7f: {  	_ =	swait.ge [sflag:s13], $0x4000  }
0x80: {  	[sflag:s13] =	ssyncset.done $0x0  }
0x81: {  	[sflag:s13] =	ssyncadd.s32 $0xFFFFC000  }
0x82: {  	_ =	swait.ge [sflag:s13], $0x4000  }
0x83: {  	[sflag:s13] =	ssyncset.done $0x0  }
0x84: {  	[sflag:s13] =	ssyncadd.s32 $0xFFFFC000  }
0x85: {  	_ =	swait.ge [sflag:s13], $0x4000  }
0x86: {  	[sflag:s13] =	ssyncset.done $0x0  }
0x87: {  	[sflag:s13] =	ssyncadd.s32 $0xFFFFC000  }
0x88: {  	_ =	swait.ge [sflag:s13], $0x4000  }
0x89: {  	[sflag:s13] =	ssyncset.done $0x0  }
0x8a: {  	[sflag:s13] =	ssyncadd.s32 $0xFFFFC000  }
0x8b: {  	[hbm4b:s14+s2] =	stream.linear.scatter [tilespmem:s7], [sflag:$0x2], $0x10000, $0x38;
	[tilespmem:$0x10200] =	vst v63  }
0x8c: {  	_ =	swait.ge [sflag:s3], $0x10000  }
0x8d: {  	[sflag:s3] =	ssyncset.done $0x0  }
0x8e: {  	[sflag:s3] =	ssyncadd.s32 $0xFFFF0000  }
0x8f: {  	[tilespmem:s2], [sflag:$0x2] =	stream.linear.gather [hbm4b:s15+s2], $0x200, $0x38;
	[tilespmem:$0x10200] =	vst v63  }
0x90: {  	_ =	swait.ge [sflag:s3], $0x200  }
0x91: {  	[sflag:s3] =	ssyncset.done $0x0  }
0x92: {  	[sflag:s3] =	ssyncadd.s32 $0xFFFFFE00  }
0x93: {  	[tilespmem:s7], [sflag:$0x1] =	stream.indirect.gather [hbm4b:s5+s6], $0x80, s2, s6, $0xb8;
	[tilespmem:$0x10200] =	vst v63  }
0x94: {  	_ = 	snop  }
0x95: {  	[tilespmem:s8], [sflag:$0x1] =	stream.indirect.gather [hbm4b:s5+s6], $0x80, s6, s6, $0xb8;
	[tilespmem:$0x10200] =	vst v63  }
0x96: {  	_ = 	snop  }
0x97: {  	[tilespmem:s10], [sflag:$0x1] =	stream.indirect.gather [hbm4b:s5+s6], $0x80, s9, s6, $0xb8;
	[tilespmem:$0x10200] =	vst v63  }
0x98: {  	_ = 	snop  }
0x99: {  	[tilespmem:s12], [sflag:$0x1] =	stream.indirect.gather [hbm4b:s5+s6], $0x80, s11, s6, $0xb8;
	[tilespmem:$0x10200] =	vst v63  }
0x9a: {  	_ =	swait.ge [sflag:s13], $0x4000  }
0x9b: {  	[sflag:s13] =	ssyncset.done $0x0  }
0x9c: {  	[sflag:s13] =	ssyncadd.s32 $0xFFFFC000  }
0x9d: {  	_ =	swait.ge [sflag:s13], $0x4000  }
0x9e: {  	[sflag:s13] =	ssyncset.done $0x0  }
0x9f: {  	[sflag:s13] =	ssyncadd.s32 $0xFFFFC000  }
0xa0: {  	_ =	swait.ge [sflag:s13], $0x4000  }
0xa1: {  	[sflag:s13] =	ssyncset.done $0x0  }
0xa2: {  	[sflag:s13] =	ssyncadd.s32 $0xFFFFC000  }
0xa3: {  	_ =	swait.ge [sflag:s13], $0x4000  }
0xa4: {  	[sflag:s13] =	ssyncset.done $0x0  }
0xa5: {  	[sflag:s13] =	ssyncadd.s32 $0xFFFFC000  }
0xa6: {  	[hbm4b:s16+s2] =	stream.linear.scatter [tilespmem:s7], [sflag:$0x2], $0x10000, $0x38;
	[tilespmem:$0x10200] =	vst v63  }
0xa7: {  	_ =	swait.ge [sflag:s3], $0x10000  }
0xa8: {  	[sflag:s3] =	ssyncset.done $0x0  }
0xa9: {  	[sflag:s3] =	ssyncadd.s32 $0xFFFF0000  }
0xaa: {  	[tilespmem:s2], [sflag:$0x2] =	stream.linear.gather [hbm4b:s17+s2], $0x200, $0x38;
	[tilespmem:$0x10200] =	vst v63  }
0xab: {  	_ =	swait.ge [sflag:s3], $0x200  }
0xac: {  	[sflag:s3] =	ssyncset.done $0x0  }
0xad: {  	[sflag:s3] =	ssyncadd.s32 $0xFFFFFE00  }
0xae: {  	[tilespmem:s7], [sflag:$0x1] =	stream.indirect.gather [hbm4b:s5+s6], $0x80, s2, s6, $0xb8;
	[tilespmem:$0x10200] =	vst v63  }
0xaf: {  	_ = 	snop  }
0xb0: {  	[tilespmem:s8], [sflag:$0x1] =	stream.indirect.gather [hbm4b:s5+s6], $0x80, s6, s6, $0xb8;
	[tilespmem:$0x10200] =	vst v63  }
0xb1: {  	_ = 	snop  }
0xb2: {  	[tilespmem:s10], [sflag:$0x1] =	stream.indirect.gather [hbm4b:s5+s6], $0x80, s9, s6, $0xb8;
	[tilespmem:$0x10200] =	vst v63  }
0xb3: {  	_ = 	snop  }
0xb4: {  	[tilespmem:s12], [sflag:$0x1] =	stream.indirect.gather [hbm4b:s5+s6], $0x80, s11, s6, $0xb8;
	[tilespmem:$0x10200] =	vst v63  }
0xb5: {  	_ =	swait.ge [sflag:s13], $0x4000  }
0xb6: {  	[sflag:s13] =	ssyncset.done $0x0  }
0xb7: {  	[sflag:s13] =	ssyncadd.s32 $0xFFFFC000  }
0xb8: {  	_ =	swait.ge [sflag:s13], $0x4000  }
0xb9: {  	[sflag:s13] =	ssyncset.done $0x0  }
0xba: {  	[sflag:s13] =	ssyncadd.s32 $0xFFFFC000  }
0xbb: {  	_ =	swait.ge [sflag:s13], $0x4000  }
0xbc: {  	[sflag:s13] =	ssyncset.done $0x0  }
0xbd: {  	[sflag:s13] =	ssyncadd.s32 $0xFFFFC000  }
0xbe: {  	_ =	swait.ge [sflag:s13], $0x4000  }
0xbf: {  	[sflag:s13] =	ssyncset.done $0x0  }
0xc0: {  	[sflag:s13] =	ssyncadd.s32 $0xFFFFC000  }
0xc1: {  	[hbm4b:s18+s2] =	stream.linear.scatter [tilespmem:s7], [sflag:$0x2], $0x10000, $0x38;
	[tilespmem:$0x10200] =	vst v63  }
0xc2: {  	_ =	swait.ge [sflag:s3], $0x10000  }
0xc3: {  	[sflag:s3] =	ssyncset.done $0x0  }
0xc4: {  	[sflag:s3] =	ssyncadd.s32 $0xFFFF0000  }
0xc5: {  	[tilespmem:s2], [sflag:$0x2] =	stream.linear.gather [hbm4b:s19+s2], $0x200, $0x38;
	[tilespmem:$0x10200] =	vst v63  }
0xc6: {  	_ =	swait.ge [sflag:s3], $0x200  }
0xc7: {  	[sflag:s3] =	ssyncset.done $0x0  }
0xc8: {  	[sflag:s3] =	ssyncadd.s32 $0xFFFFFE00  }
0xc9: {  	[tilespmem:s7], [sflag:$0x1] =	stream.indirect.gather [hbm4b:s5+s6], $0x80, s2, s6, $0xb8;
	[tilespmem:$0x10200] =	vst v63  }
0xca: {  	_ = 	snop  }
0xcb: {  	[tilespmem:s8], [sflag:$0x1] =	stream.indirect.gather [hbm4b:s5+s6], $0x80, s6, s6, $0xb8;
	[tilespmem:$0x10200] =	vst v63  }
0xcc: {  	_ = 	snop  }
0xcd: {  	[tilespmem:s10], [sflag:$0x1] =	stream.indirect.gather [hbm4b:s5+s6], $0x80, s9, s6, $0xb8;
	[tilespmem:$0x10200] =	vst v63  }
0xce: {  	_ = 	snop  }
0xcf: {  	[tilespmem:s12], [sflag:$0x1] =	stream.indirect.gather [hbm4b:s5+s6], $0x80, s11, s6, $0xb8;
	[tilespmem:$0x10200] =	vst v63  }
0xd0: {  	_ =	swait.ge [sflag:s13], $0x4000  }
0xd1: {  	[sflag:s13] =	ssyncset.done $0x0  }
0xd2: {  	[sflag:s13] =	ssyncadd.s32 $0xFFFFC000  }
0xd3: {  	_ =	swait.ge [sflag:s13], $0x4000  }
0xd4: {  	[sflag:s13] =	ssyncset.done $0x0  }
0xd5: {  	[sflag:s13] =	ssyncadd.s32 $0xFFFFC000  }
0xd6: {  	_ =	swait.ge [sflag:s13], $0x4000  }
0xd7: {  	[sflag:s13] =	ssyncset.done $0x0  }
0xd8: {  	[sflag:s13] =	ssyncadd.s32 $0xFFFFC000  }
0xd9: {  	_ =	swait.ge [sflag:s13], $0x4000  }
.Ltmp1:
0xda: {  	[sflag:s13] =	ssyncset.done $0x0;
	(pc) =	sbr.rel @p0 .LBB2_1-.Ltmp1, $4  }
0xdb: {  	[sflag:s13] =	ssyncadd.s32 $0xFFFFC000  }
0xdc: {  	[hbm4b:s20+s2] =	stream.linear.scatter [tilespmem:s7], [sflag:$0x2], $0x10000, $0x38;
	[tilespmem:$0x10200] =	vst v63  }
0xdd: {  	_ =	swait.ge [sflag:s3], $0x10000  }
0xde: {  	[sflag:s3] =	ssyncset.done $0x0  }
.LBB2_2:
0xdf: {  	[sflag:s3] =	ssyncadd.s32 $0xFFFF0000  }
0xe0: {  	_ =	sfence.sel $0x180000  }
0xe1: {  	[bflag:$0x0] =	sbarrier.arrive $0xFFFF  }
0xe2: {  	p0 =	sne.s32 s0, $0x0;
	_ =	strace $0x90000047  }
0xe3: {  	s0 =	sadd.s32 @!p0 $0x100000, s1;
	[bflag:$0x2] =	sbarrier.arrive $0xFFFF  }
0xe4: {  	[sflag:s0] =	ssyncadd.tile.s32 @!p0 $0x1;
	_ =	shalt  }
.Lfunc_end2:
_tile_overlayer_lowered:
.L_overlay_start_2:
0xe5: {  	(tag) =	ssettag $0x2  }
0xe6: {  	s0 =	rddreg [dreg:$0x0];
	s2 =	stileid.u32  }
0xe7: {  	s1 =	rddreg [dreg:$0x1];
	p0 =	sne.s32 s2, $0x0  }
0xe8: {  	s3 =	rddreg [dreg:$0x2];
	[bflag:$0x3] =	sbarrier.arrive $0xFFFF;
	s2 =	simm.s32 @!p0 $0x1C02  }
0xe9: {  	[timem:s3], [sflag:s2] =	dma.local @!p0 [hbm:s0], s1  }
0xea: {  	s0 =	simm.s32 @!p0 $0x2  }
0xeb: {  	_ =	swait.ge @!p0 [sflag:s0], s1  }
0xec: {  	s1 =	ssub.s32 @!p0 $0x0, s1;
	[sflag:s0] =	ssyncset.done @!p0 $0x0  }
0xed: {  	[sflag:s0] =	ssyncadd.s32 @!p0 s1  }
0xee: {  	[bflag:$0x3] =	sbarrier.arrive $0xFFFF  }
0xef: {  	_ =	shalt  }

// kernel: kernel.7.cloned.1.call-start
scs
__scs_entry_jumppad:
0x0: {  	(pc) =	sbr.rel $0x88, $3  }
0x1: {  	(tag) =	ssettag $0x0;
	lr =	simm.s32 $0x1  }
0x2: {  	[smem:$0x3F98] =	sst lr;
	_ =	strace $0xD0000000  }
0x3: {  	_ = 	snop  }
0x4: {  	_ = 	snop  }
0x5: {  	_ = 	snop  }
0x6: {  	_ = 	snop  }
0x7: {  	_ = 	snop  }
__scs_overlays_trampoline_lowered:
0x8: {  	[smem:$0x3FA7] =	sst s0  }
0x9: {  	[smem:$0x3FA8] =	sst s1  }
0xa: {  	[smem:$0x3FA9] =	sst s2  }
0xb: {  	[smem:$0x3FAA] =	sst s3  }
0xc: {  	[smem:$0x3FAB] =	sst s4  }
0xd: {  	[smem:$0x3FAC] =	sst s5  }
0xe: {  	[smem:$0x3FAD] =	sst s6  }
0xf: {  	[smem:$0x3FAE] =	sst s7  }
0x10: {  	[smem:$0x3FAF] =	sst s8  }
0x11: {  	[smem:$0x3FB0] =	sst s9;
	s0 =	simm.s32 @!p0 $0x0  }
0x12: {  	s1 =	sld [smem:$0x3F96];
	s0 =	simm.s32 @p0 $0x1  }
0x13: {  	[smem:$0x3FB1] =	sst s0;
	s0 =	simm.s32 @!p1 $0x0  }
0x14: {  	s2 =	sld [smem:$0x3F95];
	s0 =	simm.s32 @p1 $0x1  }
0x15: {  	[smem:$0x3FB2] =	sst s0;
	s0 =	simm.s32 @!p2 $0x0  }
0x16: {  	s3 =	sld [smem:$0x3FDB];
	s0 =	simm.s32 @p2 $0x1  }
0x17: {  	s4 =	simm.s32 $0x1BF5;
	[smem:$0x3FB4] =	sst s0  }
0x18: {  	s0 =	sld [smem:$0x3F97];
	_ =	swait.ge [sflag:s4], $0x0  }
0x19: {  	s7 =	sld [smem:$0x3F98]  }
0x1a: {  	s8 =	sadd.s32 $0xFFFFE003, lr  }
0x1b: {  	s9 =	sadd.s32 $0xFFFFFEF7, lr;
	s5 =	simm.s32 $0xFFFFFFFF;
	p2 =	slt.u32 s8, $0xFFFFF086  }
0x1c: {  	p1 =	slt.u32 s9, $0xF7A;
	s5 =	simm.s32 @!p2 $0x0  }
0x1d: {  	s5 =	simm.s32 @p1 $0x1;
	p0 =	seq.s32 s7, s2  }
0x1e: {  	s7 =	smul.u32 @!p0 $0xF7A, s2;
	p2 =	seq.s32 @!p0 s5, $0x0  }
0x1f: {  	s9 =	smul.u32 $0xF7A, s1;
	s8 =	simm.s32 @!p0 $0x1BF5;
	p2 =	por !p2, p0  }
0x20: {  	[sflag:s8] =	ssyncset.s32 @!p0 $0xFFFFF086;
	s6 =	sadd.s32 @!p0 s3, s7;
	s7 =	simm.s32 @!p0 $0x108  }
0x21: {  	s3 =	sadd.s32 s3, s9;
	s6 =	sadd.s32 @!p0 $0x88, s6;
	s7 =	simm.s32 @p2 $0x1082  }
0x22: {  	[simem:s7], [sflag:s8] =	dma.local @!p0 [hbm:s6], $0xF7A  }
0x23: {  	s9 =	sor.u32 $0xD0000000, s2;
	s6 =	simm.s32 $0x108;
	_ =	swait.ge @!p0 [sflag:s8], $0x0  }
0x24: {  	s3 =	sadd.s32 $0x88, s3;
	s6 =	simm.s32 @!p1 $0x1082;
	[sflag:s4] =	ssyncset.s32 $0xFFFFF086  }
0x25: {  	[simem:s6], [sflag:s4] =	dma.local [hbm:s3], $0xF7A  }
0x26: {  	[smem:$0x3F98] =	sst s1;
	(tag) =	ssettag s2;
	_ =	strace s9  }
0x27: {  	s1 =	sld [smem:$0x3FA8]  }
0x28: {  	s2 =	sld [smem:$0x3FA9]  }
0x29: {  	s4 =	sld [smem:$0x3FAB]  }
0x2a: {  	p0 =	seq.s32 s5, $0x0;
	s5 =	sld [smem:$0x3FAC]  }
0x2b: {  	s6 =	sld [smem:$0x3FAD]  }
0x2c: {  	s7 =	sld [smem:$0x3FAE]  }
0x2d: {  	s3 =	simm.s32 $0x108;
	s8 =	sld [smem:$0x3FAF]  }
0x2e: {  	s3 =	simm.s32 @!p0 $0x1082;
	s9 =	sld [smem:$0x3FB0]  }
0x2f: {  	lr =	sadd.s32 s0, s3;
	s0 =	sld [smem:$0x3FA7]  }
0x30: {  	s3 =	sld [smem:$0x3FAA]  }
0x31: {  	[smem:$0x3FB3] =	sst s10  }
0x32: {  	s10 =	sld [smem:$0x3FB1];
	_ =	sdelay $0x3  }
0x33: {  	p0 =	seq.s32 s10, $0x1;
	s10 =	sld [smem:$0x3FB3];
	_ =	sdelay $0x3  }
0x34: {  	[smem:$0x3FB3] =	sst s10  }
0x35: {  	s10 =	sld [smem:$0x3FB2];
	_ =	sdelay $0x3  }
0x36: {  	p1 =	seq.s32 s10, $0x1;
	s10 =	sld [smem:$0x3FB3];
	_ =	sdelay $0x3  }
0x37: {  	[smem:$0x3FB3] =	sst s10  }
0x38: {  	s10 =	sld [smem:$0x3FB4]  }
0x39: {  	_ = 	snop;
	(pc) =	sbr.ind lr, $3  }
0x3a: {  	_ = 	snop  }
0x3b: {  	_ = 	snop  }
0x3c: {  	p2 =	seq.s32 s10, $0x1;
	s10 =	sld [smem:$0x3FB3]  }
0x3d: {  	_ =	shalt  }
0x3e: {  	_ =	shalt  }
0x3f: {  	_ =	shalt  }
0x40: {  	_ =	shalt  }
0x41: {  	_ =	shalt  }
0x42: {  	_ =	shalt  }
0x43: {  	_ =	shalt  }
0x44: {  	_ =	shalt  }
0x45: {  	_ =	shalt  }
0x46: {  	_ =	shalt  }
0x47: {  	_ =	shalt  }
0x48: {  	_ =	shalt  }
0x49: {  	_ =	shalt  }
0x4a: {  	_ =	shalt  }
0x4b: {  	_ =	shalt  }
0x4c: {  	_ =	shalt  }
0x4d: {  	_ =	shalt  }
0x4e: {  	_ =	shalt  }
0x4f: {  	_ =	shalt  }
0x50: {  	_ =	shalt  }
0x51: {  	_ =	shalt  }
0x52: {  	_ =	shalt  }
0x53: {  	_ =	shalt  }
0x54: {  	_ =	shalt  }
0x55: {  	_ =	shalt  }
0x56: {  	_ =	shalt  }
0x57: {  	_ =	shalt  }
0x58: {  	_ =	shalt  }
0x59: {  	_ =	shalt  }
0x5a: {  	_ =	shalt  }
0x5b: {  	_ =	shalt  }
0x5c: {  	_ =	shalt  }
0x5d: {  	_ =	shalt  }
0x5e: {  	_ =	shalt  }
0x5f: {  	_ =	shalt  }
0x60: {  	_ =	shalt  }
0x61: {  	_ =	shalt  }
0x62: {  	_ =	shalt  }
0x63: {  	_ =	shalt  }
0x64: {  	_ =	shalt  }
0x65: {  	_ =	shalt  }
0x66: {  	_ =	shalt  }
0x67: {  	_ =	shalt  }
0x68: {  	_ =	shalt  }
0x69: {  	_ =	shalt  }
0x6a: {  	_ =	shalt  }
0x6b: {  	_ =	shalt  }
0x6c: {  	_ =	shalt  }
0x6d: {  	_ =	shalt  }
0x6e: {  	_ =	shalt  }
0x6f: {  	_ =	shalt  }
0x70: {  	_ =	shalt  }
0x71: {  	_ =	shalt  }
0x72: {  	_ =	shalt  }
0x73: {  	_ =	shalt  }
0x74: {  	_ =	shalt  }
0x75: {  	_ =	shalt  }
0x76: {  	_ =	shalt  }
0x77: {  	_ =	shalt  }
0x78: {  	_ =	shalt  }
0x79: {  	_ =	shalt  }
0x7a: {  	_ =	shalt  }
0x7b: {  	_ =	shalt  }
0x7c: {  	_ =	shalt  }
0x7d: {  	_ =	shalt  }
0x7e: {  	_ =	shalt  }
0x7f: {  	_ =	shalt  }
0x80: {  	_ =	shalt  }
0x81: {  	_ =	shalt  }
0x82: {  	_ =	shalt  }
0x83: {  	_ =	shalt  }
0x84: {  	_ =	shalt  }
0x85: {  	_ =	shalt  }
0x86: {  	_ =	shalt  }
0x87: {  	_ =	shalt  }
.Lfunc_end0:
.L_simem_size_0:
called_computation_lowered:
.L_overlay_start_0:
0x88: {  	s2 =	sld [smem:$0x3FD9]  }
0x89: {  	s3 =	sld [smem:$0x3FFE];
	_ =	sdelay $0x1  }
0x8a: {  	s1 =	srdreg.scid  }
0x8b: {  	s0 =	sand.u32 $0x1, s1  }
0x8c: {  	s17 =	sshll.u32 s0, $0xA;
	s2 =	sadd.s32 s3, s2  }
0x8d: {  	s2 =	sadd.s32 s2, s17  }
0x8e: {  	[smem:$0x3FBF] =	sst s2  }
0x8f: {  	_ = 	snop  }
0x90: {  	(tm) =	ssettm $0x1  }
0x91: {  	s18 =	sld [smem:$0x3FFB];
	_ =	sdelay $0x3  }
0x92: {  	_ =	strace s18  }
0x93: {  	s2 =	sld [smem:$0x3FFC];
	_ =	sdelay $0x3  }
0x94: {  	_ =	strace s2  }
0x95: {  	s2 =	sld [smem:$0x3FFD];
	_ =	sdelay $0x3  }
0x96: {  	_ =	strace s2  }
0x97: {  	_ =	strace $0x8FFFFFFF  }
0x98: {  	s19 =	sld [smem:$0x3FDB];
	_ =	sdelay $0x1  }
0x99: {  	s20 =	simm.s32 $_scs_section_size  }
0x9a: {  	s4 =	simm.s32 $_size__tile_overlayer_lowered;
	s5 =	simm.s32 $_tile_overlayer_lowered  }
0x9b: {  	s6 =	simm.s32 $0x1BFF;
	s21 =	sshll.u32 s5, $0x1;
	s3 =	sadd.s32 s20, s19  }
0x9c: {  	s22 =	simm.s32 $0x0;
	s4 =	sshll.u32 s4, $0x1;
	s5 =	sadd.s32 s21, s3  }
0x9d: {  	[timem:s22], [sflag:s6] =	dma.local [hbm:s5], s4  }
0x9e: {  	_ =	swait.ge [sflag:s6], s4  }
0x9f: {  	s4 =	ssub.s32 $0x0, s4;
	[sflag:s6] =	ssyncset.done $0x0  }
0xa0: {  	[sflag:s6] =	ssyncadd.s32 s4;
	_ =	sdelay $0x1  }
0xa1: {  	s23 =	simm.s32 $0x1B8B  }
0xa2: {  	_ =	swait.ge [sflag:s23], $0x1  }
0xa3: {  	[sflag:s23] =	ssyncset.done $0x0  }
0xa4: {  	[sflag:s23] =	ssyncadd.s32 $0xFFFFFFFF  }
0xa5: {  	s4 =	sld [smem:$0x0]  }
0xa6: {  	s5 =	sand.u32 $0xFFFFFFFE, s1  }
0xa7: {  	p0 =	sne.s32 s1, s5  }
0xa8: {  	s5 =	sshll.u32 @p0 s5, $0xE  }
0xa9: {  	s5 =	sadd.s32 @p0 $0x11B8D, s5;
	s6 =	sshll.u32 @p0 s4, $0x11  }
0xaa: {  	s5 =	sor.u32 @p0 s6, s5  }
0xab: {  	[sflag:s5] =	ssyncadd.remote.s32 @p0 $0x1;
	_ =	sdelay $0x1  }
0xac: {  	s5 =	simm.s32 @p0 $0x1B8D  }
0xad: {  	_ =	swait.eq @p0 [sflag:s5], $0x1  }
0xae: {  	[sflag:s5] =	ssyncadd.s32 @p0 $0xFFFFFFFF  }
0xaf: {  	s6 =	sshll.u32 @!p0 s1, $0xE  }
0xb0: {  	s6 =	sor.u32 @!p0 $0x4000, s6;
	s5 =	simm.s32 @!p0 $0x1B8D  }
0xb1: {  	s4 =	sshll.u32 @!p0 s4, $0x11;
	s6 =	sadd.s32 @!p0 $0x11B8D, s6;
	_ =	swait.eq @!p0 [sflag:s5], $0x1  }
0xb2: {  	s4 =	sor.u32 @!p0 s4, s6;
	[sflag:s5] =	ssyncadd.s32 @!p0 $0xFFFFFFFF  }
0xb3: {  	s25 =	simm.s32 $0x1B8E;
	s24 =	sld [smem:$0x3FFE];
	[sflag:s4] =	ssyncadd.remote.s32 @!p0 $0x1  }
0xb4: {  	s26 =	simm.s32 $execute0_lowered;
	[smem:$0x3FD2] =	sst s25  }
0xb5: {  	s5 =	sshll.u32 s26, $0x1;
	_ =	strace $0x80000049;
	[dreg:$0x1] =	wrdreg $0xFFFFFFFF  }
0xb6: {  	s28 =	simm.s32 $_size_execute0_lowered;
	s3 =	sadd.s32 s3, s5;
	[dreg:$0x0] =	wrdreg $0x0  }
0xb7: {  	s5 =	sshll.u32 s28, $0x1;
	[dreg:$0x2] =	wrdreg s3  }
0xb8: {  	[dreg:$0x3] =	wrdreg s5  }
0xb9: {  	[dreg:$0x4] =	wrdreg $0xC0  }
0xba: {  	_ =	task [dreg:s22], $0x5FFFF  }
0xbb: {  	[dreg:$0x1] =	wrdreg $0xFFFFFFFF  }
0xbc: {  	[dreg:$0x0] =	wrdreg $0x60  }
0xbd: {  	[dreg:$0x2] =	wrdreg s24  }
0xbe: {  	[dreg:$0x3] =	wrdreg $0x9  }
0xbf: {  	_ =	task.clear_ibuf [dreg:s22], $0x4FFFF;
	_ =	strace $0x90000049  }
0xc0: {  	s29 =	simm.s32 $0x9;
	_ =	strace $0x8000004B  }
0xc1: {  	_ =	swait.ge [sflag:s29], $0x1  }
0xc2: {  	[sflag:s29] =	ssyncadd.s32 $0xFFFFFFFF  }
0xc3: {  	_ =	strace $0x9000004B  }
0xc4: {  	_ =	sfence  }
0xc5: {  	s30 =	sld [smem:$0x0];
	_ =	sdelay $0x2  }
0xc6: {  	s31 =	sshll.u32 s1, $0xD;
	s1 =	sshrl.u32 s1, $0x2  }
0xc7: {  	s4 =	sand.u32 $0x4000, s31;
	s1 =	sadd.s32 s1, s30  }
0xc8: {  	s0 =	sor.u32 s4, s0;
	s1 =	sshll.u32 s1, $0x11  }
0xc9: {  	s0 =	sor.u32 s1, s0  }
0xca: {  	s0 =	sadd.s32 $0x8F2B, s0  }
0xcb: {  	[sflag:s0] =	ssyncadd.remote.s32 $0x1  }
0xcc: {  	_ =	sfence.sel $0xFFFF  }
0xcd: {  	[dreg:$0x0] =	wrdreg $0xFFFFFFFF;
	(pc) =	sbr.abs _section_cstart, $3  }
0xce: {  	[dreg:$0x1] =	wrdreg $0xFFFFFFFF  }
0xcf: {  	_ =	task.clear_ibuf [dreg:s22], $0x2FFFF;
	_ =	strace $0x9FFFFFFF  }
0xd0: {  	(tm) =	ssettm $0x7FFFFFFF  }
0xd1: {  	_ =	shalt  }
tec
execute0_lowered:
.L_overlay_start_1:
0x0: {  	(tag) =	ssettag $0x1  }
0x1: {  	s1 =	srdreg.scid  }
0x2: {  	s0 =	stileid.u32;
	s18 =	sand.u32 $0x1, s1  }
0x3: {  	s30 =	sshll.u32 s0, $0xA;
	s2 =	sshll.u32 s18, $0x9  }
0x4: {  	s14 =	rddreg [dreg:$0x0];
	s15 =	sor.u32 s2, s30  }
0x5: {  	s1 =	rddreg [dreg:$0x1];
	s2 =	simm.s32 $0x0;
	s3 =	sshrl.u32 s15, $0x3  }
0x6: {  	[smem:$0x7FF] =	sst s2;
	s17 =	sadd.s32 s3, s14  }
0x7: {  	_ =	strace $0x8000004A;
	s3 =	simm.s32 $0x2;
	s4 =	sadd.s32 $0x3DBE00, s17  }
0x8: {  	[tilespmem:s2], [sflag:$0x2] =	stream.linear.gather [hbm4b:s4+s2], $0x200, $0x38;
	[tilespmem:$0x10200] =	vst v63  }
0x9: {  	_ =	swait.ge [sflag:s3], $0x200  }
0xa: {  	s6 =	simm.s32 $0x80;
	[sflag:s3] =	ssyncset.done $0x0  }
0xb: {  	s7 =	simm.s32 $0x200;
	s5 =	sadd.s32 $0x2A3E00, s14;
	[sflag:s3] =	ssyncadd.s32 $0xFFFFFE00  }
0xc: {  	[tilespmem:s7], [sflag:$0x1] =	stream.indirect.gather [hbm4b:s5+s6], $0x80, s2, s6, $0xb8;
	[tilespmem:$0x10200] =	vst v63  }
0xd: {  	s8 =	simm.s32 $0x4200  }
0xe: {  	[tilespmem:s8], [sflag:$0x1] =	stream.indirect.gather [hbm4b:s5+s6], $0x80, s6, s6, $0xb8;
	[tilespmem:$0x10200] =	vst v63  }
0xf: {  	s9 =	simm.s32 $0x100;
	s10 =	simm.s32 $0x8200  }
0x10: {  	[tilespmem:s10], [sflag:$0x1] =	stream.indirect.gather [hbm4b:s5+s6], $0x80, s9, s6, $0xb8;
	[tilespmem:$0x10200] =	vst v63  }
0x11: {  	s11 =	simm.s32 $0x180;
	s12 =	simm.s32 $0xC200;
	s13 =	simm.s32 $0x1  }
0x12: {  	[tilespmem:s12], [sflag:$0x1] =	stream.indirect.gather [hbm4b:s5+s6], $0x80, s11, s6, $0xb8;
	[tilespmem:$0x10200] =	vst v63  }
0x13: {  	_ =	swait.ge [sflag:s13], $0x4000  }
0x14: {  	[sflag:s13] =	ssyncset.done $0x0  }
0x15: {  	[sflag:s13] =	ssyncadd.s32 $0xFFFFC000  }
0x16: {  	_ =	swait.ge [sflag:s13], $0x4000  }
0x17: {  	[sflag:s13] =	ssyncset.done $0x0  }
0x18: {  	[sflag:s13] =	ssyncadd.s32 $0xFFFFC000  }
0x19: {  	_ =	swait.ge [sflag:s13], $0x4000  }
0x1a: {  	[sflag:s13] =	ssyncset.done $0x0  }
0x1b: {  	[sflag:s13] =	ssyncadd.s32 $0xFFFFC000  }
0x1c: {  	s15 =	sshll.u32 s15, $0x4;
	_ =	swait.ge [sflag:s13], $0x4000  }
0x1d: {  	s19 =	sadd.s32 s15, s14;
	[sflag:s13] =	ssyncset.done $0x0  }
0x1e: {  	s14 =	sadd.s32 $0x3DD600, s19;
	[sflag:s13] =	ssyncadd.s32 $0xFFFFC000  }
0x1f: {  	[hbm4b:s14+s2] =	stream.linear.scatter [tilespmem:s7], [sflag:$0x2], $0x10000, $0x38;
	[tilespmem:$0x10200] =	vst v63  }
0x20: {  	_ =	swait.ge [sflag:s3], $0x10000  }
0x21: {  	[sflag:s3] =	ssyncset.done $0x0  }
0x22: {  	s15 =	sadd.s32 $0x3DC600, s17;
	[sflag:s3] =	ssyncadd.s32 $0xFFFF0000  }
0x23: {  	[tilespmem:s2], [sflag:$0x2] =	stream.linear.gather [hbm4b:s15+s2], $0x200, $0x38;
	[tilespmem:$0x10200] =	vst v63  }
0x24: {  	_ =	swait.ge [sflag:s3], $0x200  }
0x25: {  	[sflag:s3] =	ssyncset.done $0x0  }
0x26: {  	[sflag:s3] =	ssyncadd.s32 $0xFFFFFE00  }
0x27: {  	[tilespmem:s7], [sflag:$0x1] =	stream.indirect.gather [hbm4b:s5+s6], $0x80, s2, s6, $0xb8;
	[tilespmem:$0x10200] =	vst v63  }
0x28: {  	_ = 	snop  }
0x29: {  	[tilespmem:s8], [sflag:$0x1] =	stream.indirect.gather [hbm4b:s5+s6], $0x80, s6, s6, $0xb8;
	[tilespmem:$0x10200] =	vst v63  }
0x2a: {  	_ = 	snop  }
0x2b: {  	[tilespmem:s10], [sflag:$0x1] =	stream.indirect.gather [hbm4b:s5+s6], $0x80, s9, s6, $0xb8;
	[tilespmem:$0x10200] =	vst v63  }
0x2c: {  	_ = 	snop  }
0x2d: {  	[tilespmem:s12], [sflag:$0x1] =	stream.indirect.gather [hbm4b:s5+s6], $0x80, s11, s6, $0xb8;
	[tilespmem:$0x10200] =	vst v63  }
0x2e: {  	_ =	swait.ge [sflag:s13], $0x4000  }
0x2f: {  	[sflag:s13] =	ssyncset.done $0x0  }
0x30: {  	[sflag:s13] =	ssyncadd.s32 $0xFFFFC000  }
0x31: {  	_ =	swait.ge [sflag:s13], $0x4000  }
0x32: {  	[sflag:s13] =	ssyncset.done $0x0  }
0x33: {  	[sflag:s13] =	ssyncadd.s32 $0xFFFFC000  }
0x34: {  	_ =	swait.ge [sflag:s13], $0x4000  }
0x35: {  	[sflag:s13] =	ssyncset.done $0x0  }
0x36: {  	[sflag:s13] =	ssyncadd.s32 $0xFFFFC000  }
0x37: {  	_ =	swait.ge [sflag:s13], $0x4000  }
0x38: {  	[sflag:s13] =	ssyncset.done $0x0  }
0x39: {  	s16 =	sadd.s32 $0x41D600, s19;
	[sflag:s13] =	ssyncadd.s32 $0xFFFFC000  }
0x3a: {  	[hbm4b:s16+s2] =	stream.linear.scatter [tilespmem:s7], [sflag:$0x2], $0x10000, $0x38;
	[tilespmem:$0x10200] =	vst v63  }
0x3b: {  	_ =	swait.ge [sflag:s3], $0x10000  }
0x3c: {  	[sflag:s3] =	ssyncset.done $0x0  }
0x3d: {  	s17 =	sadd.s32 $0x3DCE00, s17;
	[sflag:s3] =	ssyncadd.s32 $0xFFFF0000  }
0x3e: {  	[tilespmem:s2], [sflag:$0x2] =	stream.linear.gather [hbm4b:s17+s2], $0x200, $0x38;
	[tilespmem:$0x10200] =	vst v63  }
0x3f: {  	_ =	swait.ge [sflag:s3], $0x200  }
0x40: {  	[sflag:s3] =	ssyncset.done $0x0  }
0x41: {  	[sflag:s3] =	ssyncadd.s32 $0xFFFFFE00  }
0x42: {  	[tilespmem:s7], [sflag:$0x1] =	stream.indirect.gather [hbm4b:s5+s6], $0x80, s2, s6, $0xb8;
	[tilespmem:$0x10200] =	vst v63  }
0x43: {  	_ = 	snop  }
0x44: {  	[tilespmem:s8], [sflag:$0x1] =	stream.indirect.gather [hbm4b:s5+s6], $0x80, s6, s6, $0xb8;
	[tilespmem:$0x10200] =	vst v63  }
0x45: {  	_ = 	snop  }
0x46: {  	[tilespmem:s10], [sflag:$0x1] =	stream.indirect.gather [hbm4b:s5+s6], $0x80, s9, s6, $0xb8;
	[tilespmem:$0x10200] =	vst v63  }
0x47: {  	_ = 	snop  }
0x48: {  	[tilespmem:s12], [sflag:$0x1] =	stream.indirect.gather [hbm4b:s5+s6], $0x80, s11, s6, $0xb8;
	[tilespmem:$0x10200] =	vst v63  }
0x49: {  	_ =	swait.ge [sflag:s13], $0x4000  }
0x4a: {  	[sflag:s13] =	ssyncset.done $0x0  }
0x4b: {  	[sflag:s13] =	ssyncadd.s32 $0xFFFFC000  }
0x4c: {  	_ =	swait.ge [sflag:s13], $0x4000  }
0x4d: {  	[sflag:s13] =	ssyncset.done $0x0  }
0x4e: {  	s18 =	ssub.s32 $0x2, s18;
	[sflag:s13] =	ssyncadd.s32 $0xFFFFC000  }
0x4f: {  	s20 =	sshrl.u32 s18, $0x1;
	_ =	swait.ge [sflag:s13], $0x4000  }
0x50: {  	s20 =	ssub.s32 s18, s20;
	[sflag:s13] =	ssyncset.done $0x0  }
0x51: {  	s31 =	smax.u32 s20, $0x1;
	[sflag:s13] =	ssyncadd.s32 $0xFFFFC000  }
0x52: {  	p0 =	sne.s32 s31, $0x1;
	_ =	swait.ge [sflag:s13], $0x4000  }
.Ltmp0:
0x53: {  	[sflag:s13] =	ssyncset.done $0x0;
	(pc) =	sbr.rel @!p0 .LBB2_2-.Ltmp0, $4  }
0x54: {  	s18 =	sadd.s32 $0x45D600, s19;
	[sflag:s13] =	ssyncadd.s32 $0xFFFFC000  }
0x55: {  	[hbm4b:s18+s2] =	stream.linear.scatter [tilespmem:s7], [sflag:$0x2], $0x10000, $0x38;
	[tilespmem:$0x10200] =	vst v63  }
0x56: {  	_ =	swait.ge [sflag:s3], $0x10000  }
0x57: {  	s19 =	sadd.s32 $0xFFFFFFFF, s31;
	[sflag:s3] =	ssyncset.done $0x0  }
.LBB2_1:
0x58: {  	p0 =	sne.s32 s19, $0x1;
	s19 =	sadd.s32 $0xFFFFFFFF, s19;
	[sflag:s3] =	ssyncadd.s32 $0xFFFF0000  }
0x59: {  	[tilespmem:s2], [sflag:$0x2] =	stream.linear.gather [hbm4b:s4+s2], $0x200, $0x38;
	[tilespmem:$0x10200] =	vst v63  }
0x5a: {  	_ =	swait.ge [sflag:s3], $0x200  }
0x5b: {  	[sflag:s3] =	ssyncset.done $0x0  }
0x5c: {  	[sflag:s3] =	ssyncadd.s32 $0xFFFFFE00  }
0x5d: {  	[tilespmem:s7], [sflag:$0x1] =	stream.indirect.gather [hbm4b:s5+s6], $0x80, s2, s6, $0xb8;
	[tilespmem:$0x10200] =	vst v63  }
0x5e: {  	_ = 	snop  }
0x5f: {  	[tilespmem:s8], [sflag:$0x1] =	stream.indirect.gather [hbm4b:s5+s6], $0x80, s6, s6, $0xb8;
	[tilespmem:$0x10200] =	vst v63  }
0x60: {  	_ = 	snop  }
0x61: {  	[tilespmem:s10], [sflag:$0x1] =	stream.indirect.gather [hbm4b:s5+s6], $0x80, s9, s6, $0xb8;
	[tilespmem:$0x10200] =	vst v63  }
0x62: {  	_ = 	snop  }
0x63: {  	[tilespmem:s12], [sflag:$0x1] =	stream.indirect.gather [hbm4b:s5+s6], $0x80, s11, s6, $0xb8;
	[tilespmem:$0x10200] =	vst v63  }
0x64: {  	_ =	swait.ge [sflag:s13], $0x4000  }
0x65: {  	[sflag:s13] =	ssyncset.done $0x0  }
0x66: {  	[sflag:s13] =	ssyncadd.s32 $0xFFFFC000  }
0x67: {  	_ =	swait.ge [sflag:s13], $0x4000  }
0x68: {  	[sflag:s13] =	ssyncset.done $0x0  }
0x69: {  	[sflag:s13] =	ssyncadd.s32 $0xFFFFC000  }
0x6a: {  	_ =	swait.ge [sflag:s13], $0x4000  }
0x6b: {  	[sflag:s13] =	ssyncset.done $0x0  }
0x6c: {  	[sflag:s13] =	ssyncadd.s32 $0xFFFFC000  }
0x6d: {  	_ =	swait.ge [sflag:s13], $0x4000  }
0x6e: {  	[sflag:s13] =	ssyncset.done $0x0  }
0x6f: {  	[sflag:s13] =	ssyncadd.s32 $0xFFFFC000  }
0x70: {  	[hbm4b:s14+s2] =	stream.linear.scatter [tilespmem:s7], [sflag:$0x2], $0x10000, $0x38;
	[tilespmem:$0x10200] =	vst v63  }
0x71: {  	_ =	swait.ge [sflag:s3], $0x10000  }
0x72: {  	[sflag:s3] =	ssyncset.done $0x0  }
0x73: {  	[sflag:s3] =	ssyncadd.s32 $0xFFFF0000  }
0x74: {  	[tilespmem:s2], [sflag:$0x2] =	stream.linear.gather [hbm4b:s15+s2], $0x200, $0x38;
	[tilespmem:$0x10200] =	vst v63  }
0x75: {  	_ =	swait.ge [sflag:s3], $0x200  }
0x76: {  	[sflag:s3] =	ssyncset.done $0x0  }
0x77: {  	[sflag:s3] =	ssyncadd.s32 $0xFFFFFE00  }
0x78: {  	[tilespmem:s7], [sflag:$0x1] =	stream.indirect.gather [hbm4b:s5+s6], $0x80, s2, s6, $0xb8;
	[tilespmem:$0x10200] =	vst v63  }
0x79: {  	_ = 	snop  }
0x7a: {  	[tilespmem:s8], [sflag:$0x1] =	stream.indirect.gather [hbm4b:s5+s6], $0x80, s6, s6, $0xb8;
	[tilespmem:$0x10200] =	vst v63  }
0x7b: {  	_ = 	snop  }
0x7c: {  	[tilespmem:s10], [sflag:$0x1] =	stream.indirect.gather [hbm4b:s5+s6], $0x80, s9, s6, $0xb8;
	[tilespmem:$0x10200] =	vst v63  }
0x7d: {  	_ = 	snop  }
0x7e: {  	[tilespmem:s12], [sflag:$0x1] =	stream.indirect.gather [hbm4b:s5+s6], $0x80, s11, s6, $0xb8;
	[tilespmem:$0x10200] =	vst v63  }
0x7f: {  	_ =	swait.ge [sflag:s13], $0x4000  }
0x80: {  	[sflag:s13] =	ssyncset.done $0x0  }
0x81: {  	[sflag:s13] =	ssyncadd.s32 $0xFFFFC000  }
0x82: {  	_ =	swait.ge [sflag:s13], $0x4000  }
0x83: {  	[sflag:s13] =	ssyncset.done $0x0  }
0x84: {  	[sflag:s13] =	ssyncadd.s32 $0xFFFFC000  }
0x85: {  	_ =	swait.ge [sflag:s13], $0x4000  }
0x86: {  	[sflag:s13] =	ssyncset.done $0x0  }
0x87: {  	[sflag:s13] =	ssyncadd.s32 $0xFFFFC000  }
0x88: {  	_ =	swait.ge [sflag:s13], $0x4000  }
0x89: {  	[sflag:s13] =	ssyncset.done $0x0  }
0x8a: {  	[sflag:s13] =	ssyncadd.s32 $0xFFFFC000  }
0x8b: {  	[hbm4b:s16+s2] =	stream.linear.scatter [tilespmem:s7], [sflag:$0x2], $0x10000, $0x38;
	[tilespmem:$0x10200] =	vst v63  }
0x8c: {  	_ =	swait.ge [sflag:s3], $0x10000  }
0x8d: {  	[sflag:s3] =	ssyncset.done $0x0  }
0x8e: {  	[sflag:s3] =	ssyncadd.s32 $0xFFFF0000  }
0x8f: {  	[tilespmem:s2], [sflag:$0x2] =	stream.linear.gather [hbm4b:s17+s2], $0x200, $0x38;
	[tilespmem:$0x10200] =	vst v63  }
0x90: {  	_ =	swait.ge [sflag:s3], $0x200  }
0x91: {  	[sflag:s3] =	ssyncset.done $0x0  }
0x92: {  	[sflag:s3] =	ssyncadd.s32 $0xFFFFFE00  }
0x93: {  	[tilespmem:s7], [sflag:$0x1] =	stream.indirect.gather [hbm4b:s5+s6], $0x80, s2, s6, $0xb8;
	[tilespmem:$0x10200] =	vst v63  }
0x94: {  	_ = 	snop  }
0x95: {  	[tilespmem:s8], [sflag:$0x1] =	stream.indirect.gather [hbm4b:s5+s6], $0x80, s6, s6, $0xb8;
	[tilespmem:$0x10200] =	vst v63  }
0x96: {  	_ = 	snop  }
0x97: {  	[tilespmem:s10], [sflag:$0x1] =	stream.indirect.gather [hbm4b:s5+s6], $0x80, s9, s6, $0xb8;
	[tilespmem:$0x10200] =	vst v63  }
0x98: {  	_ = 	snop  }
0x99: {  	[tilespmem:s12], [sflag:$0x1] =	stream.indirect.gather [hbm4b:s5+s6], $0x80, s11, s6, $0xb8;
	[tilespmem:$0x10200] =	vst v63  }
0x9a: {  	_ =	swait.ge [sflag:s13], $0x4000  }
0x9b: {  	[sflag:s13] =	ssyncset.done $0x0  }
0x9c: {  	[sflag:s13] =	ssyncadd.s32 $0xFFFFC000  }
0x9d: {  	_ =	swait.ge [sflag:s13], $0x4000  }
0x9e: {  	[sflag:s13] =	ssyncset.done $0x0  }
0x9f: {  	[sflag:s13] =	ssyncadd.s32 $0xFFFFC000  }
0xa0: {  	_ =	swait.ge [sflag:s13], $0x4000  }
0xa1: {  	[sflag:s13] =	ssyncset.done $0x0  }
0xa2: {  	[sflag:s13] =	ssyncadd.s32 $0xFFFFC000  }
0xa3: {  	_ =	swait.ge [sflag:s13], $0x4000  }
.Ltmp1:
0xa4: {  	[sflag:s13] =	ssyncset.done $0x0;
	(pc) =	sbr.rel @p0 .LBB2_1-.Ltmp1, $4  }
0xa5: {  	[sflag:s13] =	ssyncadd.s32 $0xFFFFC000  }
0xa6: {  	[hbm4b:s18+s2] =	stream.linear.scatter [tilespmem:s7], [sflag:$0x2], $0x10000, $0x38;
	[tilespmem:$0x10200] =	vst v63  }
0xa7: {  	_ =	swait.ge [sflag:s3], $0x10000  }
0xa8: {  	[sflag:s3] =	ssyncset.done $0x0  }
.LBB2_2:
0xa9: {  	[sflag:s3] =	ssyncadd.s32 $0xFFFF0000  }
0xaa: {  	_ =	sfence.sel $0x180000  }
0xab: {  	[bflag:$0x0] =	sbarrier.arrive $0xFFFF  }
0xac: {  	p0 =	sne.s32 s0, $0x0;
	_ =	strace $0x9000004A  }
0xad: {  	s0 =	sadd.s32 @!p0 $0x100000, s1;
	[bflag:$0x2] =	sbarrier.arrive $0xFFFF  }
0xae: {  	[sflag:s0] =	ssyncadd.tile.s32 @!p0 $0x1;
	_ =	shalt  }
.Lfunc_end2:
_tile_overlayer_lowered:
.L_overlay_start_2:
0xaf: {  	(tag) =	ssettag $0x2  }
0xb0: {  	s0 =	rddreg [dreg:$0x0];
	s2 =	stileid.u32  }
0xb1: {  	s1 =	rddreg [dreg:$0x1];
	p0 =	sne.s32 s2, $0x0  }
0xb2: {  	s3 =	rddreg [dreg:$0x2];
	[bflag:$0x3] =	sbarrier.arrive $0xFFFF;
	s2 =	simm.s32 @!p0 $0x1C02  }
0xb3: {  	[timem:s3], [sflag:s2] =	dma.local @!p0 [hbm:s0], s1  }
0xb4: {  	s0 =	simm.s32 @!p0 $0x2  }
0xb5: {  	_ =	swait.ge @!p0 [sflag:s0], s1  }
0xb6: {  	s1 =	ssub.s32 @!p0 $0x0, s1;
	[sflag:s0] =	ssyncset.done @!p0 $0x0  }
0xb7: {  	[sflag:s0] =	ssyncadd.s32 @!p0 s1  }
0xb8: {  	[bflag:$0x3] =	sbarrier.arrive $0xFFFF  }
0xb9: {  	_ =	shalt  }

</sc_bundles>
